<compile_context>
chip_gen: v7x
topology: tpu7x:2x2x1
jax: 0.10.2.dev20260603
libtpu: 0.0.44.dev20260713+nightly
codegen_flags: <defaults>
</compile_context>

<pallas_src>
import functools

import jax
import jax.numpy as jnp
from jax import lax
from jax.experimental import pallas as pl
from jax.experimental.pallas import tpu as pltpu
from jax.experimental.pallas import tpu_sc as plsc


def _k1_body(xyz1_ref, xyz2t_ref, idx_ref, wgt_ref):
    b = pl.program_id(0)

    x1 = xyz1_ref[0]
    x2t = xyz2t_ref[0]
    t1 = x1.shape[0]
    n2 = x2t.shape[1]

    dot = jnp.dot(x1, x2t, preferred_element_type=jnp.float32)
    x1s = jnp.sum(x1 * x1, axis=1, keepdims=True)
    x2s = jnp.sum(x2t * x2t, axis=0, keepdims=True)
    sq = jnp.maximum((x1s + x2s) - 2.0 * dot, 1e-12)

    cols = jax.lax.broadcasted_iota(jnp.int32, sq.shape, 1)
    big = jnp.float32(3.0e38)

    m1 = jnp.min(sq, axis=1, keepdims=True)
    i1 = jnp.min(jnp.where(sq == m1, cols, n2), axis=1, keepdims=True)
    sqm = jnp.where(cols == i1, big, sq)
    m2 = jnp.min(sqm, axis=1, keepdims=True)
    i2 = jnp.min(jnp.where(sqm == m2, cols, n2), axis=1, keepdims=True)
    sqm = jnp.where(cols == i2, big, sqm)
    m3 = jnp.min(sqm, axis=1, keepdims=True)
    i3 = jnp.min(jnp.where(sqm == m3, cols, n2), axis=1, keepdims=True)

    r1 = 1.0 / (jnp.sqrt(m1) + 1e-8)
    r2 = 1.0 / (jnp.sqrt(m2) + 1e-8)
    r3 = 1.0 / (jnp.sqrt(m3) + 1e-8)
    s = r1 + r2 + r3

    off = b * n2
    idx_ref[0] = jnp.concatenate(
        [i1 + off, i2 + off, i3 + off, i1 + off], axis=1)
    zf = jnp.zeros((t1, 1), jnp.float32)
    wgt_ref[0] = jnp.concatenate([r1 / s, r2 / s, r3 / s, zf], axis=1)


def _make_sc_interp(M, C2, CH):
    NW = 32
    rows_per_w = M // NW
    nch = rows_per_w // CH
    mesh = plsc.VectorSubcoreMesh(core_axis_name="c", subcore_axis_name="s")

    @functools.partial(
        pl.kernel, mesh=mesh,
        out_type=jax.ShapeDtypeStruct((M * 4, C2), jnp.float32),
        scratch_types=[
            pltpu.VMEM((CH * 4,), jnp.int32),
            pltpu.VMEM((CH * 4,), jnp.int32),
            pltpu.VMEM((CH * 4, C2), jnp.float32),
            pltpu.VMEM((CH * 4, C2), jnp.float32),
            pltpu.SemaphoreType.DMA,
            pltpu.SemaphoreType.DMA,
        ],
    )
    def sc_interp(feat2_hbm, idxf_hbm, out_hbm,
                  idx_v0, idx_v1, rows_v0, rows_v1, sem0, sem1):
        wid = lax.axis_index("s") * 2 + lax.axis_index("c")
        idx_vs = (idx_v0, idx_v1)
        rows_vs = (rows_v0, rows_v1)
        sems = (sem0, sem1)

        base0 = (wid * rows_per_w // CH) * CH
        pltpu.sync_copy(idxf_hbm.at[pl.ds(base0 * 4, CH * 4)], idx_v0)
        pltpu.async_copy(feat2_hbm.at[idx_v0], rows_v0, sem0)

        def pair(p, carry):
            for b in range(2):
                ci = 2 * p + b
                nb = 1 - b

                @pl.when(ci + 1 < nch)
                def _():
                    basen = (wid * rows_per_w // CH + ci + 1) * CH
                    pltpu.sync_copy(
                        idxf_hbm.at[pl.ds(basen * 4, CH * 4)], idx_vs[nb])
                    pltpu.async_copy(
                        feat2_hbm.at[idx_vs[nb]], rows_vs[nb], sems[nb])

                base = (wid * rows_per_w // CH + ci) * CH
                pltpu.make_async_copy(
                    feat2_hbm.at[idx_vs[b]], rows_vs[b], sems[b]).wait()
                pltpu.sync_copy(
                    rows_vs[b], out_hbm.at[pl.ds(base * 4, CH * 4)])
            return carry

        lax.fori_loop(0, nch // 2, pair, 0)

    return sc_interp


def _k2a_body(feat1_ref, g_ref, wgt_ref, w0ta_ref, w0tb_ref, b0_ref,
              out_ref, stats_ref):
    g = g_ref[...]
    w = wgt_ref[...][:, :, None]
    interp = jnp.sum(g * w, axis=1)
    x = (jnp.dot(feat1_ref[...], w0ta_ref[...],
                 preferred_element_type=jnp.float32)
         + jnp.dot(interp, w0tb_ref[...],
                   preferred_element_type=jnp.float32)
         + b0_ref[...])
    out_ref[...] = x
    ps = jnp.sum(x, axis=0, keepdims=True)
    pss = jnp.sum(x * x, axis=0, keepdims=True)
    upd = jnp.concatenate([ps, pss, jnp.zeros((6, x.shape[1]), jnp.float32)],
                          axis=0)

    @pl.when(pl.program_id(0) == 0)
    def _():
        stats_ref[...] = jnp.zeros_like(stats_ref)

    stats_ref[...] += upd


def _k2b_body(x_ref, sc_ref, sh_ref, w1t_ref, b1_ref, out_ref, stats_ref):
    x = jnp.maximum(x_ref[...] * sc_ref[...] + sh_ref[...], 0.0)
    y = jnp.dot(x, w1t_ref[...], preferred_element_type=jnp.float32) + b1_ref[...]
    out_ref[...] = y
    ps = jnp.sum(y, axis=0, keepdims=True)
    pss = jnp.sum(y * y, axis=0, keepdims=True)
    upd = jnp.concatenate([ps, pss, jnp.zeros((6, y.shape[1]), jnp.float32)],
                          axis=0)

    @pl.when(pl.program_id(0) == 0)
    def _():
        stats_ref[...] = jnp.zeros_like(stats_ref)

    stats_ref[...] += upd


def _k3_body(x_ref, sc_ref, sh_ref, out_ref):
    out_ref[...] = jnp.maximum(x_ref[...] * sc_ref[...] + sh_ref[...], 0.0)


@jax.jit
def kernel(xyz1, xyz2, feat1, feat2, W0, b0, g0, be0, W1, b1, g1, be1):
    B, N1, _ = xyz1.shape
    N2 = xyz2.shape[1]
    C1 = feat1.shape[2]
    C2 = feat2.shape[2]
    H0 = W0.shape[0]
    H1 = W1.shape[0]
    M = B * N1

    T1 = min(1024, N1)
    xyz2t = jnp.swapaxes(xyz2, 1, 2)
    w0t = W0.T
    w1t = W1.T

    idx8, wgt8 = pl.pallas_call(
        _k1_body,
        grid=(B, N1 // T1),
        in_specs=[
            pl.BlockSpec((1, T1, 3), lambda b, i: (b, i, 0)),
            pl.BlockSpec((1, 3, N2), lambda b, i: (b, 0, 0)),
        ],
        out_specs=[
            pl.BlockSpec((1, T1, 4), lambda b, i: (b, i, 0)),
            pl.BlockSpec((1, T1, 4), lambda b, i: (b, i, 0)),
        ],
        out_shape=[
            jax.ShapeDtypeStruct((B, N1, 4), jnp.int32),
            jax.ShapeDtypeStruct((B, N1, 4), jnp.float32),
        ],
    )(xyz1, xyz2t)

    sc_interp = _make_sc_interp(M, C2, 64)
    gathered = sc_interp(feat2.reshape(B * N2, C2),
                         idx8.reshape(M * 4)).reshape(M, 4, C2)

    T2 = min(2048, M)
    feat1_flat = feat1.reshape(M, C1)
    x1_pre, stats0 = pl.pallas_call(
        _k2a_body,
        grid=(M // T2,),
        in_specs=[
            pl.BlockSpec((T2, C1), lambda i: (i, 0)),
            pl.BlockSpec((T2, 4, C2), lambda i: (i, 0, 0)),
            pl.BlockSpec((T2, 4), lambda i: (i, 0)),
            pl.BlockSpec((C1, H0), lambda i: (0, 0)),
            pl.BlockSpec((C2, H0), lambda i: (0, 0)),
            pl.BlockSpec((1, H0), lambda i: (0, 0)),
        ],
        out_specs=[
            pl.BlockSpec((T2, H0), lambda i: (i, 0)),
            pl.BlockSpec((8, H0), lambda i: (0, 0)),
        ],
        out_shape=[
            jax.ShapeDtypeStruct((M, H0), jnp.float32),
            jax.ShapeDtypeStruct((8, H0), jnp.float32),
        ],
    )(feat1_flat, gathered, wgt8.reshape(M, 4), w0t[:C1], w0t[C1:],
      b0.reshape(1, H0))

    mu0 = stats0[0] / M
    var0 = stats0[1] / M - mu0 * mu0
    sc0 = (g0 / jnp.sqrt(var0 + 1e-5)).reshape(1, H0)
    sh0 = (be0 - mu0 * g0 / jnp.sqrt(var0 + 1e-5)).reshape(1, H0)

    x2_pre, stats1 = pl.pallas_call(
        _k2b_body,
        grid=(M // T2,),
        in_specs=[
            pl.BlockSpec((T2, H0), lambda i: (i, 0)),
            pl.BlockSpec((1, H0), lambda i: (0, 0)),
            pl.BlockSpec((1, H0), lambda i: (0, 0)),
            pl.BlockSpec((H0, H1), lambda i: (0, 0)),
            pl.BlockSpec((1, H1), lambda i: (0, 0)),
        ],
        out_specs=[
            pl.BlockSpec((T2, H1), lambda i: (i, 0)),
            pl.BlockSpec((8, H1), lambda i: (0, 0)),
        ],
        out_shape=[
            jax.ShapeDtypeStruct((M, H1), jnp.float32),
            jax.ShapeDtypeStruct((8, H1), jnp.float32),
        ],
    )(x1_pre, sc0, sh0, w1t, b1.reshape(1, H1))

    mu1 = stats1[0] / M
    var1 = stats1[1] / M - mu1 * mu1
    sc1 = (g1 / jnp.sqrt(var1 + 1e-5)).reshape(1, H1)
    sh1 = (be1 - mu1 * g1 / jnp.sqrt(var1 + 1e-5)).reshape(1, H1)

    out = pl.pallas_call(
        _k3_body,
        grid=(M // T2,),
        in_specs=[
            pl.BlockSpec((T2, H1), lambda i: (i, 0)),
            pl.BlockSpec((1, H1), lambda i: (0, 0)),
            pl.BlockSpec((1, H1), lambda i: (0, 0)),
        ],
        out_specs=pl.BlockSpec((T2, H1), lambda i: (i, 0)),
        out_shape=jax.ShapeDtypeStruct((M, H1), jnp.float32),
    )(x2_pre, sc1, sh1)

    return out.reshape(B, N1, H1)

# --- scband reference (transcript-rebuilt; emitter-appended) ---
"""Pipeline reference for scband-fplayer-33354716020953 (READ-ONLY COPY).

The authoritative reference and input builder live on the scoring server;
editing this copy changes nothing except your own understanding.
"""

import jax, jax.numpy as jnp
import numpy as np


def setup_inputs(seed: int = 0) -> dict:
    key = jax.random.key(seed)
    ks = jax.random.split(key, 12)
    B, N1, N2, C1, C2 = 8, 16384, 4096, 64, 128
    in_ch = C1 + C2
    mlp = [128, 128]
    inp = {
        "xyz1": jax.random.normal(ks[0], (B, N1, 3), dtype=jnp.float32),
        "xyz2": jax.random.normal(ks[1], (B, N2, 3), dtype=jnp.float32),
        "feat1": jax.random.normal(ks[2], (B, N1, C1), dtype=jnp.float32),
        "feat2": jax.random.normal(ks[3], (B, N2, C2), dtype=jnp.float32),
    }
    c = in_ch
    for i, out in enumerate(mlp):
        inp[f"W{i}"] = jax.random.normal(ks[4 + 2 * i], (out, c), dtype=jnp.float32) * (1.0 / np.sqrt(c))
        inp[f"b{i}"] = jnp.zeros((out,), jnp.float32)
        inp[f"g{i}"] = jnp.ones((out,), jnp.float32)
        inp[f"be{i}"] = jnp.zeros((out,), jnp.float32)
        c = out
    return inp


def _cdist(x, y):
    sq = (jnp.sum(x * x, axis=-1)[:, :, None]
          + jnp.sum(y * y, axis=-1)[:, None, :]
          - 2.0 * jnp.einsum('bnd,bmd->bnm', x, y))
    return jnp.sqrt(jnp.maximum(sq, 1e-12))


def reference(xyz1, xyz2, feat1, feat2, W0, b0, g0, be0, W1, b1, g1, be1):
    dist = _cdist(xyz1, xyz2)
    k = min(3, xyz2.shape[1])
    neg_vals, idx = jax.lax.top_k(-dist, k)
    d = -neg_vals
    dist_recip = 1.0 / (d + 1e-08)
    weight = dist_recip / jnp.sum(dist_recip, axis=-1, keepdims=True)
    B = xyz1.shape[0]
    gathered = feat2[jnp.arange(B)[:, None, None], idx]  # [B, N1, k, C2]
    interp = jnp.sum(gathered * weight[..., None], axis=2)
    interp = jnp.concatenate([feat1, interp], axis=-1)
    x = interp
    for (W, b, g, be) in ((W0, b0, g0, be0), (W1, b1, g1, be1)):
        x = x @ W.T + b
        mu = jnp.mean(x, axis=(0, 1))
        var = jnp.var(x, axis=(0, 1))
        x = (x - mu) / jnp.sqrt(var + 1e-05) * g + be
        x = jax.nn.relu(x)
    return x

if __name__ == "__main__":
    import jax
    _d = setup_inputs()
    print(jax.jit(kernel)(*tuple(_d.values())))

</pallas_src>

<mosaic_0001>
#map = affine_map<(d0, d1) -> (0, 0)>
#map1 = affine_map<(d0, d1) -> (0)>
module attributes {stable_mosaic.version = 14 : i64} {
  func.func @sc_interp(%arg0: i32, %arg1: i32, %arg2: memref<32768x128xf32, #tpu.memory_space<hbm>>, %arg3: memref<524288xi32, #tpu.memory_space<hbm>>, %arg4: memref<524288x128xf32, #tpu.memory_space<hbm>>, %arg5: memref<256xi32, #tpu.memory_space<vmem>>, %arg6: memref<256xi32, #tpu.memory_space<vmem>>, %arg7: memref<256x128xf32, #tpu.memory_space<vmem>>, %arg8: memref<256x128xf32, #tpu.memory_space<vmem>>, %arg9: memref<!tpu.dma_semaphore, #tpu.memory_space<semaphore_mem>>, %arg10: memref<!tpu.dma_semaphore, #tpu.memory_space<semaphore_mem>>) attributes {dimension_semantics = [#tpu.dimension_semantics<core_parallel>, #tpu.dimension_semantics<subcore_parallel>], iteration_bounds = array<i64: 2, 16>, scalar_prefetch = 0 : i64, scratch_operands = 6 : i64, tpu.core_type = #tpu.core_type<sc_vector_subcore>, window_params = [{transform_indices = #map}, {transform_indices = #map1}, {transform_indices = #map}]} {
    %mul3A = arith.constant 2 : i32
    %mul3A_0 = arith.muli %arg1, %mul3A : i32
    %add3A = arith.addi %mul3A_0, %arg0 : i32
    %mul3A_1 = arith.constant 4096 : i32
    %mul3A_2 = arith.muli %add3A, %mul3A_1 : i32
    %jit3A = arith.constant 64 : i32
    %div3A = arith.divsi %mul3A_2, %jit3A : i32
    %sign3A = arith.constant 0 : i32
    %sign3A_3 = arith.cmpi sgt, %mul3A_2, %sign3A : i32
    %sign3A_4 = arith.extui %sign3A_3 : i1 to i32
    %sign3A_5 = arith.constant 0 : i32
    %sign3A_6 = arith.cmpi slt, %mul3A_2, %sign3A_5 : i32
    %sign3A_7 = arith.extui %sign3A_6 : i1 to i32
    %sign3A_8 = arith.subi %sign3A_4, %sign3A_7 : i32
    %sign3A_9 = arith.constant 0 : i32
    %sign3A_10 = arith.cmpi sgt, %jit3A, %sign3A_9 : i32
    %sign3A_11 = arith.extui %sign3A_10 : i1 to i32
    %sign3A_12 = arith.constant 0 : i32
    %sign3A_13 = arith.cmpi slt, %jit3A, %sign3A_12 : i32
    %sign3A_14 = arith.extui %sign3A_13 : i1 to i32
    %sign3A_15 = arith.subi %sign3A_11, %sign3A_14 : i32
    %ne3A = arith.cmpi ne, %sign3A_8, %sign3A_15 : i32
    %rem3A = arith.remsi %mul3A_2, %jit3A : i32
    %ne3A_16 = arith.constant 0 : i32
    %ne3A_17 = arith.cmpi ne, %rem3A, %ne3A_16 : i32
    %and3A = arith.andi %ne3A, %ne3A_17 : i1
    %sub3A = arith.constant 1 : i32
    %sub3A_18 = arith.subi %div3A, %sub3A : i32
    %select_n3A = arith.select %and3A, %sub3A_18, %div3A : i32
    %mul3A_19 = arith.constant 64 : i32
    %mul3A_20 = arith.muli %select_n3A, %mul3A_19 : i32
    %mul3A_21 = arith.constant 4 : i32
    %mul3A_22 = arith.muli %mul3A_20, %mul3A_21 : i32
    "tpu.region"() ({
      %run_scoped3A = tpu.sem_alloc : memref<!tpu.dma_semaphore, #tpu.memory_space<semaphore_mem>>
      %dma_start3A_30 = tpu.memref_slice %arg3[%mul3A_22] : memref<524288xi32, #tpu.memory_space<hbm>> -> memref<256xi32, #tpu.memory_space<hbm>>
      %dma_start3A_31 = tpu.memref_slice %arg3[%mul3A_22] : memref<524288xi32, #tpu.memory_space<hbm>> -> memref<256xi32, #tpu.memory_space<hbm>>
      tpu.enqueue_dma source(%dma_start3A_31 : memref<256xi32, #tpu.memory_space<hbm>>) target(%arg5 : memref<256xi32, #tpu.memory_space<vmem>>) target_semaphore(%run_scoped3A : memref<!tpu.dma_semaphore, #tpu.memory_space<semaphore_mem>>)
      %dma_wait3A = tpu.memref_slice %arg3[%mul3A_22] : memref<524288xi32, #tpu.memory_space<hbm>> -> memref<256xi32, #tpu.memory_space<hbm>>
      %dma_wait3A_32 = tpu.memref_slice %arg3[%mul3A_22] : memref<524288xi32, #tpu.memory_space<hbm>> -> memref<256xi32, #tpu.memory_space<hbm>>
      tpu.wait_dma2 semaphore(%run_scoped3A : memref<!tpu.dma_semaphore, #tpu.memory_space<semaphore_mem>>) src(%dma_wait3A_32 : memref<256xi32, #tpu.memory_space<hbm>>) dst(%arg5 : memref<256xi32, #tpu.memory_space<vmem>>)
      tpu.yield
    }) : () -> ()
    %dma_start3A = arith.constant 0 : i32
    %dma_start3A_23 = arith.constant 0 : i32
    %dma_start3A_24 = tpu.memref_slice %arg2[%dma_start3A, %dma_start3A_23] : memref<32768x128xf32, #tpu.memory_space<hbm>> -> memref<32768x128xf32, #tpu.memory_space<hbm>>
    tpu.enqueue_indirect_dma source(%dma_start3A_24 : memref<32768x128xf32, #tpu.memory_space<hbm>>) target(%arg7 : memref<256x128xf32, #tpu.memory_space<vmem>>) offsets(%arg5 : memref<256xi32, #tpu.memory_space<vmem>>) semaphore(%arg9 : memref<!tpu.dma_semaphore, #tpu.memory_space<semaphore_mem>>)
    %scan3A = arith.constant 0 : i32
    %scan3A_25 = arith.constant 0 : i32
    %scan3A_26 = arith.constant 32 : i32
    %scan3A_27 = arith.addi %scan3A_25, %scan3A_26 : i32
    %scan3A_28 = arith.constant 1 : i32
    scf.for %scan3A_30 = %scan3A_25 to %scan3A_27 step %scan3A_28  : i32 {
      %mul3A_31 = arith.constant 2 : i32
      %mul3A_32 = arith.muli %mul3A_31, %scan3A_30 : i32
      %add3A_33 = arith.constant 0 : i32
      %add3A_34 = arith.addi %mul3A_32, %add3A_33 : i32
      %add3A_35 = arith.constant 1 : i32
      %add3A_36 = arith.addi %add3A_34, %add3A_35 : i32
      %lt3A = arith.constant 64 : i32
      %lt3A_37 = arith.cmpi slt, %add3A_36, %lt3A : i32
      %convert_element_type3A = arith.extui %lt3A_37 : i1 to i32
      %cond3A = arith.constant 0 : i32
      %cond3A_38 = arith.cmpi ne, %convert_element_type3A, %cond3A : i32
      scf.if %cond3A_38 {
        %mul3A_117 = arith.constant 4096 : i32
        %mul3A_118 = arith.muli %add3A, %mul3A_117 : i32
        %jit3A_119 = arith.constant 64 : i32
        %div3A_120 = arith.divsi %mul3A_118, %jit3A_119 : i32
        %sign3A_121 = arith.constant 0 : i32
        %sign3A_122 = arith.cmpi sgt, %mul3A_118, %sign3A_121 : i32
        %sign3A_123 = arith.extui %sign3A_122 : i1 to i32
        %sign3A_124 = arith.constant 0 : i32
        %sign3A_125 = arith.cmpi slt, %mul3A_118, %sign3A_124 : i32
        %sign3A_126 = arith.extui %sign3A_125 : i1 to i32
        %sign3A_127 = arith.subi %sign3A_123, %sign3A_126 : i32
        %sign3A_128 = arith.constant 0 : i32
        %sign3A_129 = arith.cmpi sgt, %jit3A_119, %sign3A_128 : i32
        %sign3A_130 = arith.extui %sign3A_129 : i1 to i32
        %sign3A_131 = arith.constant 0 : i32
        %sign3A_132 = arith.cmpi slt, %jit3A_119, %sign3A_131 : i32
        %sign3A_133 = arith.extui %sign3A_132 : i1 to i32
        %sign3A_134 = arith.subi %sign3A_130, %sign3A_133 : i32
        %ne3A_135 = arith.cmpi ne, %sign3A_127, %sign3A_134 : i32
        %rem3A_136 = arith.remsi %mul3A_118, %jit3A_119 : i32
        %ne3A_137 = arith.constant 0 : i32
        %ne3A_138 = arith.cmpi ne, %rem3A_136, %ne3A_137 : i32
        %and3A_139 = arith.andi %ne3A_135, %ne3A_138 : i1
        %sub3A_140 = arith.constant 1 : i32
        %sub3A_141 = arith.subi %div3A_120, %sub3A_140 : i32
        %select_n3A_142 = arith.select %and3A_139, %sub3A_141, %div3A_120 : i32
        %add3A_143 = arith.addi %select_n3A_142, %add3A_34 : i32
        %add3A_144 = arith.constant 1 : i32
        %add3A_145 = arith.addi %add3A_143, %add3A_144 : i32
        %mul3A_146 = arith.constant 64 : i32
        %mul3A_147 = arith.muli %add3A_145, %mul3A_146 : i32
        %mul3A_148 = arith.constant 4 : i32
        %mul3A_149 = arith.muli %mul3A_147, %mul3A_148 : i32
        "tpu.region"() ({
          %run_scoped3A = tpu.sem_alloc : memref<!tpu.dma_semaphore, #tpu.memory_space<semaphore_mem>>
          %dma_start3A_153 = tpu.memref_slice %arg3[%mul3A_149] : memref<524288xi32, #tpu.memory_space<hbm>> -> memref<256xi32, #tpu.memory_space<hbm>>
          %dma_start3A_154 = tpu.memref_slice %arg3[%mul3A_149] : memref<524288xi32, #tpu.memory_space<hbm>> -> memref<256xi32, #tpu.memory_space<hbm>>
          tpu.enqueue_dma source(%dma_start3A_154 : memref<256xi32, #tpu.memory_space<hbm>>) target(%arg6 : memref<256xi32, #tpu.memory_space<vmem>>) target_semaphore(%run_scoped3A : memref<!tpu.dma_semaphore, #tpu.memory_space<semaphore_mem>>)
          %dma_wait3A_155 = tpu.memref_slice %arg3[%mul3A_149] : memref<524288xi32, #tpu.memory_space<hbm>> -> memref<256xi32, #tpu.memory_space<hbm>>
          %dma_wait3A_156 = tpu.memref_slice %arg3[%mul3A_149] : memref<524288xi32, #tpu.memory_space<hbm>> -> memref<256xi32, #tpu.memory_space<hbm>>
          tpu.wait_dma2 semaphore(%run_scoped3A : memref<!tpu.dma_semaphore, #tpu.memory_space<semaphore_mem>>) src(%dma_wait3A_156 : memref<256xi32, #tpu.memory_space<hbm>>) dst(%arg6 : memref<256xi32, #tpu.memory_space<vmem>>)
          tpu.yield
        }) : () -> ()
        %dma_start3A_150 = arith.constant 0 : i32
        %dma_start3A_151 = arith.constant 0 : i32
        %dma_start3A_152 = tpu.memref_slice %arg2[%dma_start3A_150, %dma_start3A_151] : memref<32768x128xf32, #tpu.memory_space<hbm>> -> memref<32768x128xf32, #tpu.memory_space<hbm>>
        tpu.enqueue_indirect_dma source(%dma_start3A_152 : memref<32768x128xf32, #tpu.memory_space<hbm>>) target(%arg8 : memref<256x128xf32, #tpu.memory_space<vmem>>) offsets(%arg6 : memref<256xi32, #tpu.memory_space<vmem>>) semaphore(%arg10 : memref<!tpu.dma_semaphore, #tpu.memory_space<semaphore_mem>>)
      } else {
      }
      %mul3A_39 = arith.constant 4096 : i32
      %mul3A_40 = arith.muli %add3A, %mul3A_39 : i32
      %jit3A_41 = arith.constant 64 : i32
      %div3A_42 = arith.divsi %mul3A_40, %jit3A_41 : i32
      %sign3A_43 = arith.constant 0 : i32
      %sign3A_44 = arith.cmpi sgt, %mul3A_40, %sign3A_43 : i32
      %sign3A_45 = arith.extui %sign3A_44 : i1 to i32
      %sign3A_46 = arith.constant 0 : i32
      %sign3A_47 = arith.cmpi slt, %mul3A_40, %sign3A_46 : i32
      %sign3A_48 = arith.extui %sign3A_47 : i1 to i32
      %sign3A_49 = arith.subi %sign3A_45, %sign3A_48 : i32
      %sign3A_50 = arith.constant 0 : i32
      %sign3A_51 = arith.cmpi sgt, %jit3A_41, %sign3A_50 : i32
      %sign3A_52 = arith.extui %sign3A_51 : i1 to i32
      %sign3A_53 = arith.constant 0 : i32
      %sign3A_54 = arith.cmpi slt, %jit3A_41, %sign3A_53 : i32
      %sign3A_55 = arith.extui %sign3A_54 : i1 to i32
      %sign3A_56 = arith.subi %sign3A_52, %sign3A_55 : i32
      %ne3A_57 = arith.cmpi ne, %sign3A_49, %sign3A_56 : i32
      %rem3A_58 = arith.remsi %mul3A_40, %jit3A_41 : i32
      %ne3A_59 = arith.constant 0 : i32
      %ne3A_60 = arith.cmpi ne, %rem3A_58, %ne3A_59 : i32
      %and3A_61 = arith.andi %ne3A_57, %ne3A_60 : i1
      %sub3A_62 = arith.constant 1 : i32
      %sub3A_63 = arith.subi %div3A_42, %sub3A_62 : i32
      %select_n3A_64 = arith.select %and3A_61, %sub3A_63, %div3A_42 : i32
      %add3A_65 = arith.addi %select_n3A_64, %add3A_34 : i32
      %mul3A_66 = arith.constant 64 : i32
      %mul3A_67 = arith.muli %add3A_65, %mul3A_66 : i32
      %dma_wait3A = arith.constant 0 : i32
      %dma_wait3A_68 = arith.constant 0 : i32
      %dma_wait3A_69 = tpu.memref_slice %arg2[%dma_wait3A, %dma_wait3A_68] : memref<32768x128xf32, #tpu.memory_space<hbm>> -> memref<32768x128xf32, #tpu.memory_space<hbm>>
      tpu.wait_indirect_dma semaphore(%arg9 : memref<!tpu.dma_semaphore, #tpu.memory_space<semaphore_mem>>) src(%dma_wait3A_69 : memref<32768x128xf32, #tpu.memory_space<hbm>>) dst(%arg7 : memref<256x128xf32, #tpu.memory_space<vmem>>)
      %mul3A_70 = arith.constant 4 : i32
      %mul3A_71 = arith.muli %mul3A_67, %mul3A_70 : i32
      "tpu.region"() ({
        %run_scoped3A = tpu.sem_alloc : memref<!tpu.dma_semaphore, #tpu.memory_space<semaphore_mem>>
        %dma_start3A_117 = arith.constant 0 : i32
        %dma_start3A_118 = tpu.memref_slice %arg4[%mul3A_71, %dma_start3A_117] : memref<524288x128xf32, #tpu.memory_space<hbm>> -> memref<256x128xf32, #tpu.memory_space<hbm>>
        %dma_start3A_119 = arith.constant 0 : i32
        %dma_start3A_120 = tpu.memref_slice %arg4[%mul3A_71, %dma_start3A_119] : memref<524288x128xf32, #tpu.memory_space<hbm>> -> memref<256x128xf32, #tpu.memory_space<hbm>>
        tpu.enqueue_dma source(%arg7 : memref<256x128xf32, #tpu.memory_space<vmem>>) target(%dma_start3A_120 : memref<256x128xf32, #tpu.memory_space<hbm>>) target_semaphore(%run_scoped3A : memref<!tpu.dma_semaphore, #tpu.memory_space<semaphore_mem>>)
        %dma_wait3A_121 = arith.constant 0 : i32
        %dma_wait3A_122 = tpu.memref_slice %arg4[%mul3A_71, %dma_wait3A_121] : memref<524288x128xf32, #tpu.memory_space<hbm>> -> memref<256x128xf32, #tpu.memory_space<hbm>>
        %dma_wait3A_123 = arith.constant 0 : i32
        %dma_wait3A_124 = tpu.memref_slice %arg4[%mul3A_71, %dma_wait3A_123] : memref<524288x128xf32, #tpu.memory_space<hbm>> -> memref<256x128xf32, #tpu.memory_space<hbm>>
        tpu.wait_dma2 semaphore(%run_scoped3A : memref<!tpu.dma_semaphore, #tpu.memory_space<semaphore_mem>>) src(%arg7 : memref<256x128xf32, #tpu.memory_space<vmem>>) dst(%dma_wait3A_124 : memref<256x128xf32, #tpu.memory_space<hbm>>)
        tpu.yield
      }) : () -> ()
      %mul3A_72 = arith.constant 2 : i32
      %mul3A_73 = arith.muli %mul3A_72, %scan3A_30 : i32
      %add3A_74 = arith.constant 1 : i32
      %add3A_75 = arith.addi %mul3A_73, %add3A_74 : i32
      %add3A_76 = arith.constant 1 : i32
      %add3A_77 = arith.addi %add3A_75, %add3A_76 : i32
      %lt3A_78 = arith.constant 64 : i32
      %lt3A_79 = arith.cmpi slt, %add3A_77, %lt3A_78 : i32
      %convert_element_type3A_80 = arith.extui %lt3A_79 : i1 to i32
      %cond3A_81 = arith.constant 0 : i32
      %cond3A_82 = arith.cmpi ne, %convert_element_type3A_80, %cond3A_81 : i32
      scf.if %cond3A_82 {
        %mul3A_117 = arith.constant 4096 : i32
        %mul3A_118 = arith.muli %add3A, %mul3A_117 : i32
        %jit3A_119 = arith.constant 64 : i32
        %div3A_120 = arith.divsi %mul3A_118, %jit3A_119 : i32
        %sign3A_121 = arith.constant 0 : i32
        %sign3A_122 = arith.cmpi sgt, %mul3A_118, %sign3A_121 : i32
        %sign3A_123 = arith.extui %sign3A_122 : i1 to i32
        %sign3A_124 = arith.constant 0 : i32
        %sign3A_125 = arith.cmpi slt, %mul3A_118, %sign3A_124 : i32
        %sign3A_126 = arith.extui %sign3A_125 : i1 to i32
        %sign3A_127 = arith.subi %sign3A_123, %sign3A_126 : i32
        %sign3A_128 = arith.constant 0 : i32
        %sign3A_129 = arith.cmpi sgt, %jit3A_119, %sign3A_128 : i32
        %sign3A_130 = arith.extui %sign3A_129 : i1 to i32
        %sign3A_131 = arith.constant 0 : i32
        %sign3A_132 = arith.cmpi slt, %jit3A_119, %sign3A_131 : i32
        %sign3A_133 = arith.extui %sign3A_132 : i1 to i32
        %sign3A_134 = arith.subi %sign3A_130, %sign3A_133 : i32
        %ne3A_135 = arith.cmpi ne, %sign3A_127, %sign3A_134 : i32
        %rem3A_136 = arith.remsi %mul3A_118, %jit3A_119 : i32
        %ne3A_137 = arith.constant 0 : i32
        %ne3A_138 = arith.cmpi ne, %rem3A_136, %ne3A_137 : i32
        %and3A_139 = arith.andi %ne3A_135, %ne3A_138 : i1
        %sub3A_140 = arith.constant 1 : i32
        %sub3A_141 = arith.subi %div3A_120, %sub3A_140 : i32
        %select_n3A_142 = arith.select %and3A_139, %sub3A_141, %div3A_120 : i32
        %add3A_143 = arith.addi %select_n3A_142, %add3A_75 : i32
        %add3A_144 = arith.constant 1 : i32
        %add3A_145 = arith.addi %add3A_143, %add3A_144 : i32
        %mul3A_146 = arith.constant 64 : i32
        %mul3A_147 = arith.muli %add3A_145, %mul3A_146 : i32
        %mul3A_148 = arith.constant 4 : i32
        %mul3A_149 = arith.muli %mul3A_147, %mul3A_148 : i32
        "tpu.region"() ({
          %run_scoped3A = tpu.sem_alloc : memref<!tpu.dma_semaphore, #tpu.memory_space<semaphore_mem>>
          %dma_start3A_153 = tpu.memref_slice %arg3[%mul3A_149] : memref<524288xi32, #tpu.memory_space<hbm>> -> memref<256xi32, #tpu.memory_space<hbm>>
          %dma_start3A_154 = tpu.memref_slice %arg3[%mul3A_149] : memref<524288xi32, #tpu.memory_space<hbm>> -> memref<256xi32, #tpu.memory_space<hbm>>
          tpu.enqueue_dma source(%dma_start3A_154 : memref<256xi32, #tpu.memory_space<hbm>>) target(%arg5 : memref<256xi32, #tpu.memory_space<vmem>>) target_semaphore(%run_scoped3A : memref<!tpu.dma_semaphore, #tpu.memory_space<semaphore_mem>>)
          %dma_wait3A_155 = tpu.memref_slice %arg3[%mul3A_149] : memref<524288xi32, #tpu.memory_space<hbm>> -> memref<256xi32, #tpu.memory_space<hbm>>
          %dma_wait3A_156 = tpu.memref_slice %arg3[%mul3A_149] : memref<524288xi32, #tpu.memory_space<hbm>> -> memref<256xi32, #tpu.memory_space<hbm>>
          tpu.wait_dma2 semaphore(%run_scoped3A : memref<!tpu.dma_semaphore, #tpu.memory_space<semaphore_mem>>) src(%dma_wait3A_156 : memref<256xi32, #tpu.memory_space<hbm>>) dst(%arg5 : memref<256xi32, #tpu.memory_space<vmem>>)
          tpu.yield
        }) : () -> ()
        %dma_start3A_150 = arith.constant 0 : i32
        %dma_start3A_151 = arith.constant 0 : i32
        %dma_start3A_152 = tpu.memref_slice %arg2[%dma_start3A_150, %dma_start3A_151] : memref<32768x128xf32, #tpu.memory_space<hbm>> -> memref<32768x128xf32, #tpu.memory_space<hbm>>
        tpu.enqueue_indirect_dma source(%dma_start3A_152 : memref<32768x128xf32, #tpu.memory_space<hbm>>) target(%arg7 : memref<256x128xf32, #tpu.memory_space<vmem>>) offsets(%arg5 : memref<256xi32, #tpu.memory_space<vmem>>) semaphore(%arg9 : memref<!tpu.dma_semaphore, #tpu.memory_space<semaphore_mem>>)
      } else {
      }
      %mul3A_83 = arith.constant 4096 : i32
      %mul3A_84 = arith.muli %add3A, %mul3A_83 : i32
      %jit3A_85 = arith.constant 64 : i32
      %div3A_86 = arith.divsi %mul3A_84, %jit3A_85 : i32
      %sign3A_87 = arith.constant 0 : i32
      %sign3A_88 = arith.cmpi sgt, %mul3A_84, %sign3A_87 : i32
      %sign3A_89 = arith.extui %sign3A_88 : i1 to i32
      %sign3A_90 = arith.constant 0 : i32
      %sign3A_91 = arith.cmpi slt, %mul3A_84, %sign3A_90 : i32
      %sign3A_92 = arith.extui %sign3A_91 : i1 to i32
      %sign3A_93 = arith.subi %sign3A_89, %sign3A_92 : i32
      %sign3A_94 = arith.constant 0 : i32
      %sign3A_95 = arith.cmpi sgt, %jit3A_85, %sign3A_94 : i32
      %sign3A_96 = arith.extui %sign3A_95 : i1 to i32
      %sign3A_97 = arith.constant 0 : i32
      %sign3A_98 = arith.cmpi slt, %jit3A_85, %sign3A_97 : i32
      %sign3A_99 = arith.extui %sign3A_98 : i1 to i32
      %sign3A_100 = arith.subi %sign3A_96, %sign3A_99 : i32
      %ne3A_101 = arith.cmpi ne, %sign3A_93, %sign3A_100 : i32
      %rem3A_102 = arith.remsi %mul3A_84, %jit3A_85 : i32
      %ne3A_103 = arith.constant 0 : i32
      %ne3A_104 = arith.cmpi ne, %rem3A_102, %ne3A_103 : i32
      %and3A_105 = arith.andi %ne3A_101, %ne3A_104 : i1
      %sub3A_106 = arith.constant 1 : i32
      %sub3A_107 = arith.subi %div3A_86, %sub3A_106 : i32
      %select_n3A_108 = arith.select %and3A_105, %sub3A_107, %div3A_86 : i32
      %add3A_109 = arith.addi %select_n3A_108, %add3A_75 : i32
      %mul3A_110 = arith.constant 64 : i32
      %mul3A_111 = arith.muli %add3A_109, %mul3A_110 : i32
      %dma_wait3A_112 = arith.constant 0 : i32
      %dma_wait3A_113 = arith.constant 0 : i32
      %dma_wait3A_114 = tpu.memref_slice %arg2[%dma_wait3A_112, %dma_wait3A_113] : memref<32768x128xf32, #tpu.memory_space<hbm>> -> memref<32768x128xf32, #tpu.memory_space<hbm>>
      tpu.wait_indirect_dma semaphore(%arg10 : memref<!tpu.dma_semaphore, #tpu.memory_space<semaphore_mem>>) src(%dma_wait3A_114 : memref<32768x128xf32, #tpu.memory_space<hbm>>) dst(%arg8 : memref<256x128xf32, #tpu.memory_space<vmem>>)
      %mul3A_115 = arith.constant 4 : i32
      %mul3A_116 = arith.muli %mul3A_111, %mul3A_115 : i32
      "tpu.region"() ({
        %run_scoped3A = tpu.sem_alloc : memref<!tpu.dma_semaphore, #tpu.memory_space<semaphore_mem>>
        %dma_start3A_117 = arith.constant 0 : i32
        %dma_start3A_118 = tpu.memref_slice %arg4[%mul3A_116, %dma_start3A_117] : memref<524288x128xf32, #tpu.memory_space<hbm>> -> memref<256x128xf32, #tpu.memory_space<hbm>>
        %dma_start3A_119 = arith.constant 0 : i32
        %dma_start3A_120 = tpu.memref_slice %arg4[%mul3A_116, %dma_start3A_119] : memref<524288x128xf32, #tpu.memory_space<hbm>> -> memref<256x128xf32, #tpu.memory_space<hbm>>
        tpu.enqueue_dma source(%arg8 : memref<256x128xf32, #tpu.memory_space<vmem>>) target(%dma_start3A_120 : memref<256x128xf32, #tpu.memory_space<hbm>>) target_semaphore(%run_scoped3A : memref<!tpu.dma_semaphore, #tpu.memory_space<semaphore_mem>>)
        %dma_wait3A_121 = arith.constant 0 : i32
        %dma_wait3A_122 = tpu.memref_slice %arg4[%mul3A_116, %dma_wait3A_121] : memref<524288x128xf32, #tpu.memory_space<hbm>> -> memref<256x128xf32, #tpu.memory_space<hbm>>
        %dma_wait3A_123 = arith.constant 0 : i32
        %dma_wait3A_124 = tpu.memref_slice %arg4[%mul3A_116, %dma_wait3A_123] : memref<524288x128xf32, #tpu.memory_space<hbm>> -> memref<256x128xf32, #tpu.memory_space<hbm>>
        tpu.wait_dma2 semaphore(%run_scoped3A : memref<!tpu.dma_semaphore, #tpu.memory_space<semaphore_mem>>) src(%arg8 : memref<256x128xf32, #tpu.memory_space<vmem>>) dst(%dma_wait3A_124 : memref<256x128xf32, #tpu.memory_space<hbm>>)
        tpu.yield
      }) : () -> ()
    }
    %scan3A_29 = arith.constant 32 : i32
    return
  }
}

module attributes {stable_mosaic.version = 14 : i64} {
  func.func @_k1_body(%arg0: i32, %arg1: i32, %arg2: memref<1x1024x3xf32, #tpu.memory_space<vmem>>, %arg3: memref<1x3x4096xf32, #tpu.memory_space<vmem>>, %arg4: memref<1x1024x4xi32, #tpu.memory_space<vmem>>, %arg5: memref<1x1024x4xf32, #tpu.memory_space<vmem>>) attributes {dimension_semantics = [#tpu.dimension_semantics<arbitrary>, #tpu.dimension_semantics<arbitrary>], iteration_bounds = array<i64: 8, 16>, scalar_prefetch = 0 : i64, scratch_operands = 0 : i64, tpu.core_type = #tpu.core_type<tc>, window_params = [{transform_indices = @transform_0, window_bounds = array<i64: 1, 1024, 3>}, {transform_indices = @transform_1, window_bounds = array<i64: 1, 3, 4096>}, {transform_indices = @transform_2, window_bounds = array<i64: 1, 1024, 4>}, {transform_indices = @transform_3, window_bounds = array<i64: 1, 1024, 4>}]} {
    %get3A = arith.constant 0 : index
    %get3A_0 = arith.constant 0 : index
    %get3A_1 = arith.constant 0 : index
    %get3A_2 = vector.load %arg2[%get3A, %get3A_0, %get3A_1] : memref<1x1024x3xf32, #tpu.memory_space<vmem>>, vector<1x1024x3xf32>
    %get3A_3 = vector.shape_cast %get3A_2 : vector<1x1024x3xf32> to vector<1024x3xf32>
    %get3A_4 = arith.constant 0 : index
    %get3A_5 = arith.constant 0 : index
    %get3A_6 = arith.constant 0 : index
    %get3A_7 = vector.load %arg3[%get3A_4, %get3A_5, %get3A_6] : memref<1x3x4096xf32, #tpu.memory_space<vmem>>, vector<1x3x4096xf32>
    %get3A_8 = vector.shape_cast %get3A_7 : vector<1x3x4096xf32> to vector<3x4096xf32>
    %dot_general3A = arith.constant dense<0.000000e+00> : vector<1024x4096xf32>
    %dot_general3A_9 = tpu.matmul %get3A_3, %get3A_8, %dot_general3A {dimension_numbers = #tpu.dot_dimension_numbers<[1], [0], [0], [1], [0, 0, 1, 1], [], []>, transpose_lhs_hint = false} : vector<1024x3xf32>, vector<3x4096xf32>, vector<1024x4096xf32> -> vector<1024x4096xf32>
    %mul3A = arith.mulf %get3A_3, %get3A_3 : vector<1024x3xf32>
    %reduce_sum3A = arith.constant dense<0.000000e+00> : vector<1024xf32>
    %reduce_sum3A_10 = vector.multi_reduction <add>, %mul3A, %reduce_sum3A [1] : vector<1024x3xf32> to vector<1024xf32>
    %broadcast_in_dim3A = vector.shape_cast %reduce_sum3A_10 : vector<1024xf32> to vector<1024x1xf32>
    %mul3A_11 = arith.mulf %get3A_8, %get3A_8 : vector<3x4096xf32>
    %reduce_sum3A_12 = arith.constant dense<0.000000e+00> : vector<4096xf32>
    %reduce_sum3A_13 = vector.multi_reduction <add>, %mul3A_11, %reduce_sum3A_12 [0] : vector<3x4096xf32> to vector<4096xf32>
    %broadcast_in_dim3A_14 = vector.shape_cast %reduce_sum3A_13 : vector<4096xf32> to vector<1x4096xf32>
    %add3A = vector.broadcast %broadcast_in_dim3A : vector<1024x1xf32> to vector<1024x4096xf32>
    %add3A_15 = vector.broadcast %broadcast_in_dim3A_14 : vector<1x4096xf32> to vector<1024x4096xf32>
    %add3A_16 = arith.addf %add3A, %add3A_15 : vector<1024x4096xf32>
    %mul3A_17 = arith.constant 2.000000e+00 : f32
    %mul3A_18 = vector.broadcast %mul3A_17 : f32 to vector<1024x4096xf32>
    %mul3A_19 = arith.mulf %mul3A_18, %dot_general3A_9 : vector<1024x4096xf32>
    %sub3A = arith.subf %add3A_16, %mul3A_19 : vector<1024x4096xf32>
    %max3A = arith.constant 9.99999996E-13 : f32
    %max3A_20 = vector.broadcast %max3A : f32 to vector<1024x4096xf32>
    %max3A_21 = arith.maximumf %sub3A, %max3A_20 : vector<1024x4096xf32>
    %iota3A = tpu.iota {dimensions = array<i32: 1>} : vector<1024x4096xi32>
    %reduce_min3A = arith.constant dense<0x7F800000> : vector<1024xf32>
    %reduce_min3A_22 = vector.multi_reduction <minimumf>, %max3A_21, %reduce_min3A [1] : vector<1024x4096xf32> to vector<1024xf32>
    %broadcast_in_dim3A_23 = vector.shape_cast %reduce_min3A_22 : vector<1024xf32> to vector<1024x1xf32>
    %eq3A = vector.broadcast %broadcast_in_dim3A_23 : vector<1024x1xf32> to vector<1024x4096xf32>
    %eq3A_24 = arith.cmpf oeq, %max3A_21, %eq3A : vector<1024x4096xf32>
    %jit3A = arith.constant 4096 : i32
    %broadcast_in_dim3A_25 = vector.broadcast %jit3A : i32 to vector<1024x4096xi32>
    %select_n3A = arith.select %eq3A_24, %iota3A, %broadcast_in_dim3A_25 : vector<1024x4096xi1>, vector<1024x4096xi32>
    %reduce_min3A_26 = arith.constant dense<2147483647> : vector<1024xi32>
    %reduce_min3A_27 = vector.multi_reduction <minsi>, %select_n3A, %reduce_min3A_26 [1] : vector<1024x4096xi32> to vector<1024xi32>
    %broadcast_in_dim3A_28 = vector.shape_cast %reduce_min3A_27 : vector<1024xi32> to vector<1024x1xi32>
    %eq3A_29 = vector.broadcast %broadcast_in_dim3A_28 : vector<1024x1xi32> to vector<1024x4096xi32>
    %eq3A_30 = arith.cmpi eq, %iota3A, %eq3A_29 : vector<1024x4096xi32>
    %jit3A_31 = arith.constant 3.000000e+38 : f32
    %broadcast_in_dim3A_32 = vector.broadcast %jit3A_31 : f32 to vector<1024x4096xf32>
    %select_n3A_33 = arith.select %eq3A_30, %broadcast_in_dim3A_32, %max3A_21 : vector<1024x4096xi1>, vector<1024x4096xf32>
    %reduce_min3A_34 = arith.constant dense<0x7F800000> : vector<1024xf32>
    %reduce_min3A_35 = vector.multi_reduction <minimumf>, %select_n3A_33, %reduce_min3A_34 [1] : vector<1024x4096xf32> to vector<1024xf32>
    %broadcast_in_dim3A_36 = vector.shape_cast %reduce_min3A_35 : vector<1024xf32> to vector<1024x1xf32>
    %eq3A_37 = vector.broadcast %broadcast_in_dim3A_36 : vector<1024x1xf32> to vector<1024x4096xf32>
    %eq3A_38 = arith.cmpf oeq, %select_n3A_33, %eq3A_37 : vector<1024x4096xf32>
    %jit3A_39 = arith.constant 4096 : i32
    %broadcast_in_dim3A_40 = vector.broadcast %jit3A_39 : i32 to vector<1024x4096xi32>
    %select_n3A_41 = arith.select %eq3A_38, %iota3A, %broadcast_in_dim3A_40 : vector<1024x4096xi1>, vector<1024x4096xi32>
    %reduce_min3A_42 = arith.constant dense<2147483647> : vector<1024xi32>
    %reduce_min3A_43 = vector.multi_reduction <minsi>, %select_n3A_41, %reduce_min3A_42 [1] : vector<1024x4096xi32> to vector<1024xi32>
    %broadcast_in_dim3A_44 = vector.shape_cast %reduce_min3A_43 : vector<1024xi32> to vector<1024x1xi32>
    %eq3A_45 = vector.broadcast %broadcast_in_dim3A_44 : vector<1024x1xi32> to vector<1024x4096xi32>
    %eq3A_46 = arith.cmpi eq, %iota3A, %eq3A_45 : vector<1024x4096xi32>
    %jit3A_47 = arith.constant 3.000000e+38 : f32
    %broadcast_in_dim3A_48 = vector.broadcast %jit3A_47 : f32 to vector<1024x4096xf32>
    %select_n3A_49 = arith.select %eq3A_46, %broadcast_in_dim3A_48, %select_n3A_33 : vector<1024x4096xi1>, vector<1024x4096xf32>
    %reduce_min3A_50 = arith.constant dense<0x7F800000> : vector<1024xf32>
    %reduce_min3A_51 = vector.multi_reduction <minimumf>, %select_n3A_49, %reduce_min3A_50 [1] : vector<1024x4096xf32> to vector<1024xf32>
    %broadcast_in_dim3A_52 = vector.shape_cast %reduce_min3A_51 : vector<1024xf32> to vector<1024x1xf32>
    %eq3A_53 = vector.broadcast %broadcast_in_dim3A_52 : vector<1024x1xf32> to vector<1024x4096xf32>
    %eq3A_54 = arith.cmpf oeq, %select_n3A_49, %eq3A_53 : vector<1024x4096xf32>
    %jit3A_55 = arith.constant 4096 : i32
    %broadcast_in_dim3A_56 = vector.broadcast %jit3A_55 : i32 to vector<1024x4096xi32>
    %select_n3A_57 = arith.select %eq3A_54, %iota3A, %broadcast_in_dim3A_56 : vector<1024x4096xi1>, vector<1024x4096xi32>
    %reduce_min3A_58 = arith.constant dense<2147483647> : vector<1024xi32>
    %reduce_min3A_59 = vector.multi_reduction <minsi>, %select_n3A_57, %reduce_min3A_58 [1] : vector<1024x4096xi32> to vector<1024xi32>
    %broadcast_in_dim3A_60 = vector.shape_cast %reduce_min3A_59 : vector<1024xi32> to vector<1024x1xi32>
    %sqrt3A = math.sqrt %broadcast_in_dim3A_23 : vector<1024x1xf32>
    %add3A_61 = arith.constant 9.99999993E-9 : f32
    %add3A_62 = vector.broadcast %add3A_61 : f32 to vector<1024x1xf32>
    %add3A_63 = arith.addf %sqrt3A, %add3A_62 : vector<1024x1xf32>
    %div3A = arith.constant 1.000000e+00 : f32
    %div3A_64 = vector.broadcast %div3A : f32 to vector<1024x1xf32>
    %div3A_65 = arith.divf %div3A_64, %add3A_63 : vector<1024x1xf32>
    %sqrt3A_66 = math.sqrt %broadcast_in_dim3A_36 : vector<1024x1xf32>
    %add3A_67 = arith.constant 9.99999993E-9 : f32
    %add3A_68 = vector.broadcast %add3A_67 : f32 to vector<1024x1xf32>
    %add3A_69 = arith.addf %sqrt3A_66, %add3A_68 : vector<1024x1xf32>
    %div3A_70 = arith.constant 1.000000e+00 : f32
    %div3A_71 = vector.broadcast %div3A_70 : f32 to vector<1024x1xf32>
    %div3A_72 = arith.divf %div3A_71, %add3A_69 : vector<1024x1xf32>
    %sqrt3A_73 = math.sqrt %broadcast_in_dim3A_52 : vector<1024x1xf32>
    %add3A_74 = arith.constant 9.99999993E-9 : f32
    %add3A_75 = vector.broadcast %add3A_74 : f32 to vector<1024x1xf32>
    %add3A_76 = arith.addf %sqrt3A_73, %add3A_75 : vector<1024x1xf32>
    %div3A_77 = arith.constant 1.000000e+00 : f32
    %div3A_78 = vector.broadcast %div3A_77 : f32 to vector<1024x1xf32>
    %div3A_79 = arith.divf %div3A_78, %add3A_76 : vector<1024x1xf32>
    %add3A_80 = arith.addf %div3A_65, %div3A_72 : vector<1024x1xf32>
    %add3A_81 = arith.addf %add3A_80, %div3A_79 : vector<1024x1xf32>
    %mul3A_82 = arith.constant 4096 : i32
    %mul3A_83 = arith.muli %arg0, %mul3A_82 : i32
    %add3A_84 = vector.broadcast %mul3A_83 : i32 to vector<1024x1xi32>
    %add3A_85 = arith.addi %broadcast_in_dim3A_28, %add3A_84 : vector<1024x1xi32>
    %add3A_86 = vector.broadcast %mul3A_83 : i32 to vector<1024x1xi32>
    %add3A_87 = arith.addi %broadcast_in_dim3A_44, %add3A_86 : vector<1024x1xi32>
    %add3A_88 = vector.broadcast %mul3A_83 : i32 to vector<1024x1xi32>
    %add3A_89 = arith.addi %broadcast_in_dim3A_60, %add3A_88 : vector<1024x1xi32>
    %add3A_90 = vector.broadcast %mul3A_83 : i32 to vector<1024x1xi32>
    %add3A_91 = arith.addi %broadcast_in_dim3A_28, %add3A_90 : vector<1024x1xi32>
    %concatenate3A = tpu.concatenate %add3A_85, %add3A_87, %add3A_89, %add3A_91 in 1 : vector<1024x1xi32>, vector<1024x1xi32>, vector<1024x1xi32>, vector<1024x1xi32> -> vector<1024x4xi32>
    %swap3A = arith.constant 0 : index
    %swap3A_92 = arith.constant 0 : index
    %swap3A_93 = arith.constant 0 : index
    %swap3A_94 = vector.load %arg4[%swap3A, %swap3A_92, %swap3A_93] : memref<1x1024x4xi32, #tpu.memory_space<vmem>>, vector<1x1024x4xi32>
    %swap3A_95 = vector.shape_cast %swap3A_94 : vector<1x1024x4xi32> to vector<1024x4xi32>
    %swap3A_96 = vector.shape_cast %concatenate3A : vector<1024x4xi32> to vector<1x1024x4xi32>
    tpu.vector_store %arg4[%swap3A, %swap3A_92, %swap3A_93], %swap3A_96 {strides = array<i32>} : memref<1x1024x4xi32, #tpu.memory_space<vmem>>, vector<1x1024x4xi32>,
    %broadcast_in_dim3A_97 = arith.constant 0.000000e+00 : f32
    %broadcast_in_dim3A_98 = vector.broadcast %broadcast_in_dim3A_97 : f32 to vector<1024x1xf32>
    %div3A_99 = arith.divf %div3A_65, %add3A_81 : vector<1024x1xf32>
    %div3A_100 = arith.divf %div3A_72, %add3A_81 : vector<1024x1xf32>
    %div3A_101 = arith.divf %div3A_79, %add3A_81 : vector<1024x1xf32>
    %concatenate3A_102 = tpu.concatenate %div3A_99, %div3A_100, %div3A_101, %broadcast_in_dim3A_98 in 1 : vector<1024x1xf32>, vector<1024x1xf32>, vector<1024x1xf32>, vector<1024x1xf32> -> vector<1024x4xf32>
    %swap3A_103 = arith.constant 0 : index
    %swap3A_104 = arith.constant 0 : index
    %swap3A_105 = arith.constant 0 : index
    %swap3A_106 = vector.load %arg5[%swap3A_103, %swap3A_104, %swap3A_105] : memref<1x1024x4xf32, #tpu.memory_space<vmem>>, vector<1x1024x4xf32>
    %swap3A_107 = vector.shape_cast %swap3A_106 : vector<1x1024x4xf32> to vector<1024x4xf32>
    %swap3A_108 = vector.shape_cast %concatenate3A_102 : vector<1024x4xf32> to vector<1x1024x4xf32>
    tpu.vector_store %arg5[%swap3A_103, %swap3A_104, %swap3A_105], %swap3A_108 {strides = array<i32>} : memref<1x1024x4xf32, #tpu.memory_space<vmem>>, vector<1x1024x4xf32>,
    return
  }
  func.func @transform_0(%arg0: i32, %arg1: i32) -> (i32, i32, i32) {
    %c0_i32 = arith.constant 0 : i32
    %c0_i32_0 = arith.constant 0 : i32
    return %arg0, %arg1, %c0_i32 : i32, i32, i32
  }
  func.func @transform_1(%arg0: i32, %arg1: i32) -> (i32, i32, i32) {
    %c0_i32 = arith.constant 0 : i32
    %c0_i32_0 = arith.constant 0 : i32
    %c0_i32_1 = arith.constant 0 : i32
    return %arg0, %c0_i32, %c0_i32_0 : i32, i32, i32
  }
  func.func @transform_2(%arg0: i32, %arg1: i32) -> (i32, i32, i32) {
    %c0_i32 = arith.constant 0 : i32
    %c0_i32_0 = arith.constant 0 : i32
    return %arg0, %arg1, %c0_i32 : i32, i32, i32
  }
  func.func @transform_3(%arg0: i32, %arg1: i32) -> (i32, i32, i32) {
    %c0_i32 = arith.constant 0 : i32
    %c0_i32_0 = arith.constant 0 : i32
    return %arg0, %arg1, %c0_i32 : i32, i32, i32
  }
}

module attributes {stable_mosaic.version = 14 : i64} {
  func.func @_k2a_body(%arg0: i32, %arg1: memref<2048x64xf32, #tpu.memory_space<vmem>>, %arg2: memref<2048x4x128xf32, #tpu.memory_space<vmem>>, %arg3: memref<2048x4xf32, #tpu.memory_space<vmem>>, %arg4: memref<64x128xf32, #tpu.memory_space<vmem>>, %arg5: memref<128x128xf32, #tpu.memory_space<vmem>>, %arg6: memref<1x128xf32, #tpu.memory_space<vmem>>, %arg7: memref<2048x128xf32, #tpu.memory_space<vmem>>, %arg8: memref<8x128xf32, #tpu.memory_space<vmem>>) attributes {dimension_semantics = [#tpu.dimension_semantics<arbitrary>], iteration_bounds = array<i64: 64>, scalar_prefetch = 0 : i64, scratch_operands = 0 : i64, tpu.core_type = #tpu.core_type<tc>, window_params = [{transform_indices = @transform_0, window_bounds = array<i64: 2048, 64>}, {transform_indices = @transform_1, window_bounds = array<i64: 2048, 4, 128>}, {transform_indices = @transform_2, window_bounds = array<i64: 2048, 4>}, {pipeline_mode = #tpu.pipeline_mode<synchronous>, transform_indices = @transform_3, window_bounds = array<i64: 64, 128>}, {pipeline_mode = #tpu.pipeline_mode<synchronous>, transform_indices = @transform_4, window_bounds = array<i64: 128, 128>}, {pipeline_mode = #tpu.pipeline_mode<synchronous>, transform_indices = @transform_5, window_bounds = array<i64: 1, 128>}, {transform_indices = @transform_6, window_bounds = array<i64: 2048, 128>}, {pipeline_mode = #tpu.pipeline_mode<synchronous>, transform_indices = @transform_7, window_bounds = array<i64: 8, 128>}]} {
    %get3A = arith.constant 0 : index
    %get3A_0 = arith.constant 0 : index
    %get3A_1 = arith.constant 0 : index
    %get3A_2 = vector.load %arg2[%get3A, %get3A_0, %get3A_1] : memref<2048x4x128xf32, #tpu.memory_space<vmem>>, vector<2048x4x128xf32>
    %get3A_3 = arith.constant 0 : index
    %get3A_4 = arith.constant 0 : index
    %get3A_5 = vector.load %arg3[%get3A_3, %get3A_4] : memref<2048x4xf32, #tpu.memory_space<vmem>>, vector<2048x4xf32>
    %broadcast_in_dim3A = vector.shape_cast %get3A_5 : vector<2048x4xf32> to vector<2048x4x1xf32>
    %mul3A = vector.broadcast %broadcast_in_dim3A : vector<2048x4x1xf32> to vector<2048x4x128xf32>
    %mul3A_6 = arith.mulf %get3A_2, %mul3A : vector<2048x4x128xf32>
    %reduce_sum3A = arith.constant dense<0.000000e+00> : vector<2048x128xf32>
    %reduce_sum3A_7 = vector.multi_reduction <add>, %mul3A_6, %reduce_sum3A [1] : vector<2048x4x128xf32> to vector<2048x128xf32>
    %get3A_8 = arith.constant 0 : index
    %get3A_9 = arith.constant 0 : index
    %get3A_10 = vector.load %arg1[%get3A_8, %get3A_9] : memref<2048x64xf32, #tpu.memory_space<vmem>>, vector<2048x64xf32>
    %get3A_11 = arith.constant 0 : index
    %get3A_12 = arith.constant 0 : index
    %get3A_13 = vector.load %arg4[%get3A_11, %get3A_12] : memref<64x128xf32, #tpu.memory_space<vmem>>, vector<64x128xf32>
    %dot_general3A = arith.constant dense<0.000000e+00> : vector<2048x128xf32>
    %dot_general3A_14 = tpu.matmul %get3A_10, %get3A_13, %dot_general3A {dimension_numbers = #tpu.dot_dimension_numbers<[1], [0], [0], [1], [0, 0, 1, 1], [], []>, transpose_lhs_hint = false} : vector<2048x64xf32>, vector<64x128xf32>, vector<2048x128xf32> -> vector<2048x128xf32>
    %get3A_15 = arith.constant 0 : index
    %get3A_16 = arith.constant 0 : index
    %get3A_17 = vector.load %arg5[%get3A_15, %get3A_16] : memref<128x128xf32, #tpu.memory_space<vmem>>, vector<128x128xf32>
    %dot_general3A_18 = arith.constant dense<0.000000e+00> : vector<2048x128xf32>
    %dot_general3A_19 = tpu.matmul %reduce_sum3A_7, %get3A_17, %dot_general3A_18 {dimension_numbers = #tpu.dot_dimension_numbers<[1], [0], [0], [1], [0, 0, 1, 1], [], []>, transpose_lhs_hint = false} : vector<2048x128xf32>, vector<128x128xf32>, vector<2048x128xf32> -> vector<2048x128xf32>
    %add3A = arith.addf %dot_general3A_14, %dot_general3A_19 : vector<2048x128xf32>
    %get3A_20 = arith.constant 0 : index
    %get3A_21 = arith.constant 0 : index
    %get3A_22 = vector.load %arg6[%get3A_20, %get3A_21] : memref<1x128xf32, #tpu.memory_space<vmem>>, vector<1x128xf32>
    %add3A_23 = vector.broadcast %get3A_22 : vector<1x128xf32> to vector<2048x128xf32>
    %add3A_24 = arith.addf %add3A, %add3A_23 : vector<2048x128xf32>
    %swap3A = arith.constant 0 : index
    %swap3A_25 = arith.constant 0 : index
    %swap3A_26 = vector.load %arg7[%swap3A, %swap3A_25] : memref<2048x128xf32, #tpu.memory_space<vmem>>, vector<2048x128xf32>
    tpu.vector_store %arg7[%swap3A, %swap3A_25], %add3A_24 {strides = array<i32>} : memref<2048x128xf32, #tpu.memory_space<vmem>>, vector<2048x128xf32>,
    %reduce_sum3A_27 = arith.constant dense<0.000000e+00> : vector<128xf32>
    %reduce_sum3A_28 = vector.multi_reduction <add>, %add3A_24, %reduce_sum3A_27 [0] : vector<2048x128xf32> to vector<128xf32>
    %broadcast_in_dim3A_29 = vector.shape_cast %reduce_sum3A_28 : vector<128xf32> to vector<1x128xf32>
    %mul3A_30 = arith.mulf %add3A_24, %add3A_24 : vector<2048x128xf32>
    %reduce_sum3A_31 = arith.constant dense<0.000000e+00> : vector<128xf32>
    %reduce_sum3A_32 = vector.multi_reduction <add>, %mul3A_30, %reduce_sum3A_31 [0] : vector<2048x128xf32> to vector<128xf32>
    %broadcast_in_dim3A_33 = vector.shape_cast %reduce_sum3A_32 : vector<128xf32> to vector<1x128xf32>
    %broadcast_in_dim3A_34 = arith.constant 0.000000e+00 : f32
    %broadcast_in_dim3A_35 = vector.broadcast %broadcast_in_dim3A_34 : f32 to vector<6x128xf32>
    %concatenate3A = tpu.concatenate %broadcast_in_dim3A_29, %broadcast_in_dim3A_33, %broadcast_in_dim3A_35 in 0 : vector<1x128xf32>, vector<1x128xf32>, vector<6x128xf32> -> vector<8x128xf32>
    %eq3A = arith.constant 0 : i32
    %eq3A_36 = arith.cmpi eq, %arg0, %eq3A : i32
    %convert_element_type3A = arith.extui %eq3A_36 : i1 to i32
    %cond3A = arith.constant 0 : i32
    %cond3A_37 = arith.cmpi ne, %convert_element_type3A, %cond3A : i32
    scf.if %cond3A_37 {
      %broadcast_in_dim3A_45 = arith.constant 0.000000e+00 : f32
      %broadcast_in_dim3A_46 = vector.broadcast %broadcast_in_dim3A_45 : f32 to vector<8x128xf32>
      %swap3A_47 = arith.constant 0 : index
      %swap3A_48 = arith.constant 0 : index
      %swap3A_49 = vector.load %arg8[%swap3A_47, %swap3A_48] : memref<8x128xf32, #tpu.memory_space<vmem>>, vector<8x128xf32>
      tpu.vector_store %arg8[%swap3A_47, %swap3A_48], %broadcast_in_dim3A_46 {strides = array<i32>} : memref<8x128xf32, #tpu.memory_space<vmem>>, vector<8x128xf32>,
    } else {
    }
    %get3A_38 = arith.constant 0 : index
    %get3A_39 = arith.constant 0 : index
    %get3A_40 = vector.load %arg8[%get3A_38, %get3A_39] : memref<8x128xf32, #tpu.memory_space<vmem>>, vector<8x128xf32>
    %add3A_41 = arith.addf %get3A_40, %concatenate3A : vector<8x128xf32>
    %swap3A_42 = arith.constant 0 : index
    %swap3A_43 = arith.constant 0 : index
    %swap3A_44 = vector.load %arg8[%swap3A_42, %swap3A_43] : memref<8x128xf32, #tpu.memory_space<vmem>>, vector<8x128xf32>
    tpu.vector_store %arg8[%swap3A_42, %swap3A_43], %add3A_41 {strides = array<i32>} : memref<8x128xf32, #tpu.memory_space<vmem>>, vector<8x128xf32>,
    return
  }
  func.func @transform_0(%arg0: i32) -> (i32, i32) {
    %c0_i32 = arith.constant 0 : i32
    %c0_i32_0 = arith.constant 0 : i32
    return %arg0, %c0_i32 : i32, i32
  }
  func.func @transform_1(%arg0: i32) -> (i32, i32, i32) {
    %c0_i32 = arith.constant 0 : i32
    %c0_i32_0 = arith.constant 0 : i32
    %c0_i32_1 = arith.constant 0 : i32
    return %arg0, %c0_i32, %c0_i32_0 : i32, i32, i32
  }
  func.func @transform_2(%arg0: i32) -> (i32, i32) {
    %c0_i32 = arith.constant 0 : i32
    %c0_i32_0 = arith.constant 0 : i32
    return %arg0, %c0_i32 : i32, i32
  }
  func.func @transform_3(%arg0: i32) -> (i32, i32) {
    %c0_i32 = arith.constant 0 : i32
    %c0_i32_0 = arith.constant 0 : i32
    %c0_i32_1 = arith.constant 0 : i32
    return %c0_i32, %c0_i32_0 : i32, i32
  }
  func.func @transform_4(%arg0: i32) -> (i32, i32) {
    %c0_i32 = arith.constant 0 : i32
    %c0_i32_0 = arith.constant 0 : i32
    %c0_i32_1 = arith.constant 0 : i32
    return %c0_i32, %c0_i32_0 : i32, i32
  }
  func.func @transform_5(%arg0: i32) -> (i32, i32) {
    %c0_i32 = arith.constant 0 : i32
    %c0_i32_0 = arith.constant 0 : i32
    %c0_i32_1 = arith.constant 0 : i32
    return %c0_i32, %c0_i32_0 : i32, i32
  }
  func.func @transform_6(%arg0: i32) -> (i32, i32) {
    %c0_i32 = arith.constant 0 : i32
    %c0_i32_0 = arith.constant 0 : i32
    return %arg0, %c0_i32 : i32, i32
  }
  func.func @transform_7(%arg0: i32) -> (i32, i32) {
    %c0_i32 = arith.constant 0 : i32
    %c0_i32_0 = arith.constant 0 : i32
    %c0_i32_1 = arith.constant 0 : i32
    return %c0_i32, %c0_i32_0 : i32, i32
  }
}

module attributes {stable_mosaic.version = 14 : i64} {
  func.func @_k2b_body(%arg0: i32, %arg1: memref<2048x128xf32, #tpu.memory_space<vmem>>, %arg2: memref<1x128xf32, #tpu.memory_space<vmem>>, %arg3: memref<1x128xf32, #tpu.memory_space<vmem>>, %arg4: memref<128x128xf32, #tpu.memory_space<vmem>>, %arg5: memref<1x128xf32, #tpu.memory_space<vmem>>, %arg6: memref<2048x128xf32, #tpu.memory_space<vmem>>, %arg7: memref<8x128xf32, #tpu.memory_space<vmem>>) attributes {dimension_semantics = [#tpu.dimension_semantics<arbitrary>], iteration_bounds = array<i64: 64>, scalar_prefetch = 0 : i64, scratch_operands = 0 : i64, tpu.core_type = #tpu.core_type<tc>, window_params = [{transform_indices = @transform_0, window_bounds = array<i64: 2048, 128>}, {pipeline_mode = #tpu.pipeline_mode<synchronous>, transform_indices = @transform_1, window_bounds = array<i64: 1, 128>}, {pipeline_mode = #tpu.pipeline_mode<synchronous>, transform_indices = @transform_2, window_bounds = array<i64: 1, 128>}, {pipeline_mode = #tpu.pipeline_mode<synchronous>, transform_indices = @transform_3, window_bounds = array<i64: 128, 128>}, {pipeline_mode = #tpu.pipeline_mode<synchronous>, transform_indices = @transform_4, window_bounds = array<i64: 1, 128>}, {transform_indices = @transform_5, window_bounds = array<i64: 2048, 128>}, {pipeline_mode = #tpu.pipeline_mode<synchronous>, transform_indices = @transform_6, window_bounds = array<i64: 8, 128>}]} {
    %get3A = arith.constant 0 : index
    %get3A_0 = arith.constant 0 : index
    %get3A_1 = vector.load %arg1[%get3A, %get3A_0] : memref<2048x128xf32, #tpu.memory_space<vmem>>, vector<2048x128xf32>
    %get3A_2 = arith.constant 0 : index
    %get3A_3 = arith.constant 0 : index
    %get3A_4 = vector.load %arg2[%get3A_2, %get3A_3] : memref<1x128xf32, #tpu.memory_space<vmem>>, vector<1x128xf32>
    %mul3A = vector.broadcast %get3A_4 : vector<1x128xf32> to vector<2048x128xf32>
    %mul3A_5 = arith.mulf %get3A_1, %mul3A : vector<2048x128xf32>
    %get3A_6 = arith.constant 0 : index
    %get3A_7 = arith.constant 0 : index
    %get3A_8 = vector.load %arg3[%get3A_6, %get3A_7] : memref<1x128xf32, #tpu.memory_space<vmem>>, vector<1x128xf32>
    %add3A = vector.broadcast %get3A_8 : vector<1x128xf32> to vector<2048x128xf32>
    %add3A_9 = arith.addf %mul3A_5, %add3A : vector<2048x128xf32>
    %max3A = arith.constant 0.000000e+00 : f32
    %max3A_10 = vector.broadcast %max3A : f32 to vector<2048x128xf32>
    %max3A_11 = arith.maximumf %add3A_9, %max3A_10 : vector<2048x128xf32>
    %get3A_12 = arith.constant 0 : index
    %get3A_13 = arith.constant 0 : index
    %get3A_14 = vector.load %arg4[%get3A_12, %get3A_13] : memref<128x128xf32, #tpu.memory_space<vmem>>, vector<128x128xf32>
    %dot_general3A = arith.constant dense<0.000000e+00> : vector<2048x128xf32>
    %dot_general3A_15 = tpu.matmul %max3A_11, %get3A_14, %dot_general3A {dimension_numbers = #tpu.dot_dimension_numbers<[1], [0], [0], [1], [0, 0, 1, 1], [], []>, transpose_lhs_hint = false} : vector<2048x128xf32>, vector<128x128xf32>, vector<2048x128xf32> -> vector<2048x128xf32>
    %get3A_16 = arith.constant 0 : index
    %get3A_17 = arith.constant 0 : index
    %get3A_18 = vector.load %arg5[%get3A_16, %get3A_17] : memref<1x128xf32, #tpu.memory_space<vmem>>, vector<1x128xf32>
    %add3A_19 = vector.broadcast %get3A_18 : vector<1x128xf32> to vector<2048x128xf32>
    %add3A_20 = arith.addf %dot_general3A_15, %add3A_19 : vector<2048x128xf32>
    %swap3A = arith.constant 0 : index
    %swap3A_21 = arith.constant 0 : index
    %swap3A_22 = vector.load %arg6[%swap3A, %swap3A_21] : memref<2048x128xf32, #tpu.memory_space<vmem>>, vector<2048x128xf32>
    tpu.vector_store %arg6[%swap3A, %swap3A_21], %add3A_20 {strides = array<i32>} : memref<2048x128xf32, #tpu.memory_space<vmem>>, vector<2048x128xf32>,
    %reduce_sum3A = arith.constant dense<0.000000e+00> : vector<128xf32>
    %reduce_sum3A_23 = vector.multi_reduction <add>, %add3A_20, %reduce_sum3A [0] : vector<2048x128xf32> to vector<128xf32>
    %broadcast_in_dim3A = vector.shape_cast %reduce_sum3A_23 : vector<128xf32> to vector<1x128xf32>
    %mul3A_24 = arith.mulf %add3A_20, %add3A_20 : vector<2048x128xf32>
    %reduce_sum3A_25 = arith.constant dense<0.000000e+00> : vector<128xf32>
    %reduce_sum3A_26 = vector.multi_reduction <add>, %mul3A_24, %reduce_sum3A_25 [0] : vector<2048x128xf32> to vector<128xf32>
    %broadcast_in_dim3A_27 = vector.shape_cast %reduce_sum3A_26 : vector<128xf32> to vector<1x128xf32>
    %broadcast_in_dim3A_28 = arith.constant 0.000000e+00 : f32
    %broadcast_in_dim3A_29 = vector.broadcast %broadcast_in_dim3A_28 : f32 to vector<6x128xf32>
    %concatenate3A = tpu.concatenate %broadcast_in_dim3A, %broadcast_in_dim3A_27, %broadcast_in_dim3A_29 in 0 : vector<1x128xf32>, vector<1x128xf32>, vector<6x128xf32> -> vector<8x128xf32>
    %eq3A = arith.constant 0 : i32
    %eq3A_30 = arith.cmpi eq, %arg0, %eq3A : i32
    %convert_element_type3A = arith.extui %eq3A_30 : i1 to i32
    %cond3A = arith.constant 0 : i32
    %cond3A_31 = arith.cmpi ne, %convert_element_type3A, %cond3A : i32
    scf.if %cond3A_31 {
      %broadcast_in_dim3A_39 = arith.constant 0.000000e+00 : f32
      %broadcast_in_dim3A_40 = vector.broadcast %broadcast_in_dim3A_39 : f32 to vector<8x128xf32>
      %swap3A_41 = arith.constant 0 : index
      %swap3A_42 = arith.constant 0 : index
      %swap3A_43 = vector.load %arg7[%swap3A_41, %swap3A_42] : memref<8x128xf32, #tpu.memory_space<vmem>>, vector<8x128xf32>
      tpu.vector_store %arg7[%swap3A_41, %swap3A_42], %broadcast_in_dim3A_40 {strides = array<i32>} : memref<8x128xf32, #tpu.memory_space<vmem>>, vector<8x128xf32>,
    } else {
    }
    %get3A_32 = arith.constant 0 : index
    %get3A_33 = arith.constant 0 : index
    %get3A_34 = vector.load %arg7[%get3A_32, %get3A_33] : memref<8x128xf32, #tpu.memory_space<vmem>>, vector<8x128xf32>
    %add3A_35 = arith.addf %get3A_34, %concatenate3A : vector<8x128xf32>
    %swap3A_36 = arith.constant 0 : index
    %swap3A_37 = arith.constant 0 : index
    %swap3A_38 = vector.load %arg7[%swap3A_36, %swap3A_37] : memref<8x128xf32, #tpu.memory_space<vmem>>, vector<8x128xf32>
    tpu.vector_store %arg7[%swap3A_36, %swap3A_37], %add3A_35 {strides = array<i32>} : memref<8x128xf32, #tpu.memory_space<vmem>>, vector<8x128xf32>,
    return
  }
  func.func @transform_0(%arg0: i32) -> (i32, i32) {
    %c0_i32 = arith.constant 0 : i32
    %c0_i32_0 = arith.constant 0 : i32
    return %arg0, %c0_i32 : i32, i32
  }
  func.func @transform_1(%arg0: i32) -> (i32, i32) {
    %c0_i32 = arith.constant 0 : i32
    %c0_i32_0 = arith.constant 0 : i32
    %c0_i32_1 = arith.constant 0 : i32
    return %c0_i32, %c0_i32_0 : i32, i32
  }
  func.func @transform_2(%arg0: i32) -> (i32, i32) {
    %c0_i32 = arith.constant 0 : i32
    %c0_i32_0 = arith.constant 0 : i32
    %c0_i32_1 = arith.constant 0 : i32
    return %c0_i32, %c0_i32_0 : i32, i32
  }
  func.func @transform_3(%arg0: i32) -> (i32, i32) {
    %c0_i32 = arith.constant 0 : i32
    %c0_i32_0 = arith.constant 0 : i32
    %c0_i32_1 = arith.constant 0 : i32
    return %c0_i32, %c0_i32_0 : i32, i32
  }
  func.func @transform_4(%arg0: i32) -> (i32, i32) {
    %c0_i32 = arith.constant 0 : i32
    %c0_i32_0 = arith.constant 0 : i32
    %c0_i32_1 = arith.constant 0 : i32
    return %c0_i32, %c0_i32_0 : i32, i32
  }
  func.func @transform_5(%arg0: i32) -> (i32, i32) {
    %c0_i32 = arith.constant 0 : i32
    %c0_i32_0 = arith.constant 0 : i32
    return %arg0, %c0_i32 : i32, i32
  }
  func.func @transform_6(%arg0: i32) -> (i32, i32) {
    %c0_i32 = arith.constant 0 : i32
    %c0_i32_0 = arith.constant 0 : i32
    %c0_i32_1 = arith.constant 0 : i32
    return %c0_i32, %c0_i32_0 : i32, i32
  }
}

module attributes {stable_mosaic.version = 14 : i64} {
  func.func @_k3_body(%arg0: i32, %arg1: memref<2048x128xf32, #tpu.memory_space<vmem>>, %arg2: memref<1x128xf32, #tpu.memory_space<vmem>>, %arg3: memref<1x128xf32, #tpu.memory_space<vmem>>, %arg4: memref<2048x128xf32, #tpu.memory_space<vmem>>) attributes {dimension_semantics = [#tpu.dimension_semantics<arbitrary>], iteration_bounds = array<i64: 64>, scalar_prefetch = 0 : i64, scratch_operands = 0 : i64, tpu.core_type = #tpu.core_type<tc>, window_params = [{transform_indices = @transform_0, window_bounds = array<i64: 2048, 128>}, {pipeline_mode = #tpu.pipeline_mode<synchronous>, transform_indices = @transform_1, window_bounds = array<i64: 1, 128>}, {pipeline_mode = #tpu.pipeline_mode<synchronous>, transform_indices = @transform_2, window_bounds = array<i64: 1, 128>}, {transform_indices = @transform_3, window_bounds = array<i64: 2048, 128>}]} {
    %get3A = arith.constant 0 : index
    %get3A_0 = arith.constant 0 : index
    %get3A_1 = vector.load %arg1[%get3A, %get3A_0] : memref<2048x128xf32, #tpu.memory_space<vmem>>, vector<2048x128xf32>
    %get3A_2 = arith.constant 0 : index
    %get3A_3 = arith.constant 0 : index
    %get3A_4 = vector.load %arg2[%get3A_2, %get3A_3] : memref<1x128xf32, #tpu.memory_space<vmem>>, vector<1x128xf32>
    %mul3A = vector.broadcast %get3A_4 : vector<1x128xf32> to vector<2048x128xf32>
    %mul3A_5 = arith.mulf %get3A_1, %mul3A : vector<2048x128xf32>
    %get3A_6 = arith.constant 0 : index
    %get3A_7 = arith.constant 0 : index
    %get3A_8 = vector.load %arg3[%get3A_6, %get3A_7] : memref<1x128xf32, #tpu.memory_space<vmem>>, vector<1x128xf32>
    %add3A = vector.broadcast %get3A_8 : vector<1x128xf32> to vector<2048x128xf32>
    %add3A_9 = arith.addf %mul3A_5, %add3A : vector<2048x128xf32>
    %max3A = arith.constant 0.000000e+00 : f32
    %max3A_10 = vector.broadcast %max3A : f32 to vector<2048x128xf32>
    %max3A_11 = arith.maximumf %add3A_9, %max3A_10 : vector<2048x128xf32>
    %swap3A = arith.constant 0 : index
    %swap3A_12 = arith.constant 0 : index
    %swap3A_13 = vector.load %arg4[%swap3A, %swap3A_12] : memref<2048x128xf32, #tpu.memory_space<vmem>>, vector<2048x128xf32>
    tpu.vector_store %arg4[%swap3A, %swap3A_12], %max3A_11 {strides = array<i32>} : memref<2048x128xf32, #tpu.memory_space<vmem>>, vector<2048x128xf32>,
    return
  }
  func.func @transform_0(%arg0: i32) -> (i32, i32) {
    %c0_i32 = arith.constant 0 : i32
    %c0_i32_0 = arith.constant 0 : i32
    return %arg0, %c0_i32 : i32, i32
  }
  func.func @transform_1(%arg0: i32) -> (i32, i32) {
    %c0_i32 = arith.constant 0 : i32
    %c0_i32_0 = arith.constant 0 : i32
    %c0_i32_1 = arith.constant 0 : i32
    return %c0_i32, %c0_i32_0 : i32, i32
  }
  func.func @transform_2(%arg0: i32) -> (i32, i32) {
    %c0_i32 = arith.constant 0 : i32
    %c0_i32_0 = arith.constant 0 : i32
    %c0_i32_1 = arith.constant 0 : i32
    return %c0_i32, %c0_i32_0 : i32, i32
  }
  func.func @transform_3(%arg0: i32) -> (i32, i32) {
    %c0_i32 = arith.constant 0 : i32
    %c0_i32_0 = arith.constant 0 : i32
    return %arg0, %c0_i32 : i32, i32
  }
}

</mosaic_0001>

<sc_bundles>
// kernel: kernel.7.cloned.1.call-start
scs
__scs_entry_jumppad:
0x0: {  	(pc) =	sbr.rel $0x88, $3  }
0x1: {  	(tag) =	ssettag $0x0;
	lr =	simm.s32 $0x1  }
0x2: {  	[smem:$0x3F95] =	sst lr;
	_ =	strace $0xD0000000  }
0x3: {  	_ = 	snop  }
0x4: {  	_ = 	snop  }
0x5: {  	_ = 	snop  }
0x6: {  	_ = 	snop  }
0x7: {  	_ = 	snop  }
__scs_overlays_trampoline_lowered:
0x8: {  	[smem:$0x3FA4] =	sst s0  }
0x9: {  	[smem:$0x3FA5] =	sst s1  }
0xa: {  	[smem:$0x3FA6] =	sst s2  }
0xb: {  	[smem:$0x3FA7] =	sst s3  }
0xc: {  	[smem:$0x3FA8] =	sst s4  }
0xd: {  	[smem:$0x3FA9] =	sst s5  }
0xe: {  	[smem:$0x3FAA] =	sst s6  }
0xf: {  	[smem:$0x3FAB] =	sst s7  }
0x10: {  	[smem:$0x3FAC] =	sst s8  }
0x11: {  	[smem:$0x3FAD] =	sst s9;
	s0 =	simm.s32 @!p0 $0x0  }
0x12: {  	s1 =	sld [smem:$0x3F93];
	s0 =	simm.s32 @p0 $0x1  }
0x13: {  	[smem:$0x3FAE] =	sst s0;
	s0 =	simm.s32 @!p1 $0x0  }
0x14: {  	s2 =	sld [smem:$0x3F92];
	s0 =	simm.s32 @p1 $0x1  }
0x15: {  	[smem:$0x3FAF] =	sst s0;
	s0 =	simm.s32 @!p2 $0x0  }
0x16: {  	s3 =	sld [smem:$0x3FDB];
	s0 =	simm.s32 @p2 $0x1  }
0x17: {  	s4 =	simm.s32 $0x1BF5;
	[smem:$0x3FB1] =	sst s0  }
0x18: {  	s0 =	sld [smem:$0x3F94];
	_ =	swait.ge [sflag:s4], $0x0  }
0x19: {  	s7 =	sld [smem:$0x3F95]  }
0x1a: {  	s8 =	sadd.s32 $0xFFFFE003, lr  }
0x1b: {  	s9 =	sadd.s32 $0xFFFFFEF7, lr;
	s5 =	simm.s32 $0xFFFFFFFF;
	p2 =	slt.u32 s8, $0xFFFFF086  }
0x1c: {  	p1 =	slt.u32 s9, $0xF7A;
	s5 =	simm.s32 @!p2 $0x0  }
0x1d: {  	s5 =	simm.s32 @p1 $0x1;
	p0 =	seq.s32 s7, s2  }
0x1e: {  	s7 =	smul.u32 @!p0 $0xF7A, s2;
	p2 =	seq.s32 @!p0 s5, $0x0  }
0x1f: {  	s9 =	smul.u32 $0xF7A, s1;
	s8 =	simm.s32 @!p0 $0x1BF5;
	p2 =	por !p2, p0  }
0x20: {  	[sflag:s8] =	ssyncset.s32 @!p0 $0xFFFFF086;
	s6 =	sadd.s32 @!p0 s3, s7;
	s7 =	simm.s32 @!p0 $0x108  }
0x21: {  	s3 =	sadd.s32 s3, s9;
	s6 =	sadd.s32 @!p0 $0x88, s6;
	s7 =	simm.s32 @p2 $0x1082  }
0x22: {  	[simem:s7], [sflag:s8] =	dma.local @!p0 [hbm:s6], $0xF7A  }
0x23: {  	s9 =	sor.u32 $0xD0000000, s2;
	s6 =	simm.s32 $0x108;
	_ =	swait.ge @!p0 [sflag:s8], $0x0  }
0x24: {  	s3 =	sadd.s32 $0x88, s3;
	s6 =	simm.s32 @!p1 $0x1082;
	[sflag:s4] =	ssyncset.s32 $0xFFFFF086  }
0x25: {  	[simem:s6], [sflag:s4] =	dma.local [hbm:s3], $0xF7A  }
0x26: {  	[smem:$0x3F95] =	sst s1;
	(tag) =	ssettag s2;
	_ =	strace s9  }
0x27: {  	s1 =	sld [smem:$0x3FA5]  }
0x28: {  	s2 =	sld [smem:$0x3FA6]  }
0x29: {  	s4 =	sld [smem:$0x3FA8]  }
0x2a: {  	p0 =	seq.s32 s5, $0x0;
	s5 =	sld [smem:$0x3FA9]  }
0x2b: {  	s6 =	sld [smem:$0x3FAA]  }
0x2c: {  	s7 =	sld [smem:$0x3FAB]  }
0x2d: {  	s3 =	simm.s32 $0x108;
	s8 =	sld [smem:$0x3FAC]  }
0x2e: {  	s3 =	simm.s32 @!p0 $0x1082;
	s9 =	sld [smem:$0x3FAD]  }
0x2f: {  	lr =	sadd.s32 s0, s3;
	s0 =	sld [smem:$0x3FA4]  }
0x30: {  	s3 =	sld [smem:$0x3FA7]  }
0x31: {  	[smem:$0x3FB0] =	sst s10  }
0x32: {  	s10 =	sld [smem:$0x3FAE];
	_ =	sdelay $0x3  }
0x33: {  	p0 =	seq.s32 s10, $0x1;
	s10 =	sld [smem:$0x3FB0];
	_ =	sdelay $0x3  }
0x34: {  	[smem:$0x3FB0] =	sst s10  }
0x35: {  	s10 =	sld [smem:$0x3FAF];
	_ =	sdelay $0x3  }
0x36: {  	p1 =	seq.s32 s10, $0x1;
	s10 =	sld [smem:$0x3FB0];
	_ =	sdelay $0x3  }
0x37: {  	[smem:$0x3FB0] =	sst s10  }
0x38: {  	s10 =	sld [smem:$0x3FB1]  }
0x39: {  	_ = 	snop;
	(pc) =	sbr.ind lr, $3  }
0x3a: {  	_ = 	snop  }
0x3b: {  	_ = 	snop  }
0x3c: {  	p2 =	seq.s32 s10, $0x1;
	s10 =	sld [smem:$0x3FB0]  }
0x3d: {  	_ =	shalt  }
0x3e: {  	_ =	shalt  }
0x3f: {  	_ =	shalt  }
0x40: {  	_ =	shalt  }
0x41: {  	_ =	shalt  }
0x42: {  	_ =	shalt  }
0x43: {  	_ =	shalt  }
0x44: {  	_ =	shalt  }
0x45: {  	_ =	shalt  }
0x46: {  	_ =	shalt  }
0x47: {  	_ =	shalt  }
0x48: {  	_ =	shalt  }
0x49: {  	_ =	shalt  }
0x4a: {  	_ =	shalt  }
0x4b: {  	_ =	shalt  }
0x4c: {  	_ =	shalt  }
0x4d: {  	_ =	shalt  }
0x4e: {  	_ =	shalt  }
0x4f: {  	_ =	shalt  }
0x50: {  	_ =	shalt  }
0x51: {  	_ =	shalt  }
0x52: {  	_ =	shalt  }
0x53: {  	_ =	shalt  }
0x54: {  	_ =	shalt  }
0x55: {  	_ =	shalt  }
0x56: {  	_ =	shalt  }
0x57: {  	_ =	shalt  }
0x58: {  	_ =	shalt  }
0x59: {  	_ =	shalt  }
0x5a: {  	_ =	shalt  }
0x5b: {  	_ =	shalt  }
0x5c: {  	_ =	shalt  }
0x5d: {  	_ =	shalt  }
0x5e: {  	_ =	shalt  }
0x5f: {  	_ =	shalt  }
0x60: {  	_ =	shalt  }
0x61: {  	_ =	shalt  }
0x62: {  	_ =	shalt  }
0x63: {  	_ =	shalt  }
0x64: {  	_ =	shalt  }
0x65: {  	_ =	shalt  }
0x66: {  	_ =	shalt  }
0x67: {  	_ =	shalt  }
0x68: {  	_ =	shalt  }
0x69: {  	_ =	shalt  }
0x6a: {  	_ =	shalt  }
0x6b: {  	_ =	shalt  }
0x6c: {  	_ =	shalt  }
0x6d: {  	_ =	shalt  }
0x6e: {  	_ =	shalt  }
0x6f: {  	_ =	shalt  }
0x70: {  	_ =	shalt  }
0x71: {  	_ =	shalt  }
0x72: {  	_ =	shalt  }
0x73: {  	_ =	shalt  }
0x74: {  	_ =	shalt  }
0x75: {  	_ =	shalt  }
0x76: {  	_ =	shalt  }
0x77: {  	_ =	shalt  }
0x78: {  	_ =	shalt  }
0x79: {  	_ =	shalt  }
0x7a: {  	_ =	shalt  }
0x7b: {  	_ =	shalt  }
0x7c: {  	_ =	shalt  }
0x7d: {  	_ =	shalt  }
0x7e: {  	_ =	shalt  }
0x7f: {  	_ =	shalt  }
0x80: {  	_ =	shalt  }
0x81: {  	_ =	shalt  }
0x82: {  	_ =	shalt  }
0x83: {  	_ =	shalt  }
0x84: {  	_ =	shalt  }
0x85: {  	_ =	shalt  }
0x86: {  	_ =	shalt  }
0x87: {  	_ =	shalt  }
.Lfunc_end0:
.L_simem_size_0:
called_computation_lowered:
.L_overlay_start_0:
0x88: {  	s2 =	sld [smem:$0x3FD9]  }
0x89: {  	s3 =	sld [smem:$0x3FFE];
	_ =	sdelay $0x1  }
0x8a: {  	s1 =	srdreg.scid  }
0x8b: {  	s0 =	sand.u32 $0x1, s1  }
0x8c: {  	s17 =	sshll.u32 s0, $0xA;
	s2 =	sadd.s32 s3, s2  }
0x8d: {  	s2 =	sadd.s32 s2, s17  }
0x8e: {  	[smem:$0x3FBC] =	sst s2  }
0x8f: {  	_ = 	snop  }
0x90: {  	s2 =	sld [smem:$0x3FC6];
	(tm) =	ssettm $0x1  }
0x91: {  	s18 =	sld [smem:$0x3FFB];
	_ =	sdelay $0x3  }
0x92: {  	_ =	strace s18  }
0x93: {  	s3 =	sld [smem:$0x3FFC];
	_ =	sdelay $0x3  }
0x94: {  	_ =	strace s3  }
0x95: {  	s3 =	sld [smem:$0x3FFD];
	_ =	sdelay $0x3  }
0x96: {  	_ =	strace s3  }
0x97: {  	_ =	strace $0x8FFFFFFF  }
0x98: {  	s19 =	sld [smem:$0x3FDB];
	_ =	sdelay $0x1  }
0x99: {  	s4 =	simm.s32 $_scs_section_size  }
0x9a: {  	s5 =	simm.s32 $_size__tile_overlayer_lowered;
	s6 =	simm.s32 $_tile_overlayer_lowered  }
0x9b: {  	s22 =	simm.s32 $0x1BFF;
	s21 =	sshll.u32 s6, $0x1;
	s3 =	sadd.s32 s4, s19  }
0x9c: {  	s7 =	simm.s32 $0x0;
	s20 =	sshll.u32 s5, $0x1;
	s5 =	sadd.s32 s21, s3  }
0x9d: {  	[timem:s7], [sflag:s22] =	dma.local [hbm:s5], s20  }
0x9e: {  	_ =	swait.ge [sflag:s22], s20  }
0x9f: {  	s4 =	ssub.s32 $0x0, s20;
	[sflag:s22] =	ssyncset.done $0x0  }
0xa0: {  	[sflag:s22] =	ssyncadd.s32 s4;
	_ =	sdelay $0x1  }
0xa1: {  	s23 =	simm.s32 $0x1B8B  }
0xa2: {  	_ =	swait.ge [sflag:s23], $0x1  }
0xa3: {  	[sflag:s23] =	ssyncset.done $0x0  }
0xa4: {  	s25 =	simm.s32 $0x1B8E;
	s24 =	sld [smem:$0x3FFE];
	[sflag:s23] =	ssyncadd.s32 $0xFFFFFFFF  }
0xa5: {  	s26 =	simm.s32 $execute0_lowered;
	[smem:$0x3FD2] =	sst s25  }
0xa6: {  	s5 =	sshll.u32 s26, $0x1;
	_ =	strace $0x80000046;
	[dreg:$0x1] =	wrdreg $0xFFFFFFFF  }
0xa7: {  	s28 =	simm.s32 $_size_execute0_lowered;
	s3 =	sadd.s32 s3, s5;
	[dreg:$0x0] =	wrdreg $0x0  }
0xa8: {  	s5 =	sshll.u32 s28, $0x1;
	[dreg:$0x2] =	wrdreg s3  }
0xa9: {  	[dreg:$0x3] =	wrdreg s5  }
0xaa: {  	[dreg:$0x4] =	wrdreg $0xC0  }
0xab: {  	_ =	task [dreg:s7], $0x5FFFF  }
0xac: {  	[dreg:$0x1] =	wrdreg $0xFFFFFFFF  }
0xad: {  	[dreg:$0x0] =	wrdreg $0x60  }
0xae: {  	[dreg:$0x2] =	wrdreg s2  }
0xaf: {  	[dreg:$0x3] =	wrdreg s24  }
0xb0: {  	[dreg:$0x4] =	wrdreg $0x9  }
0xb1: {  	_ =	task.clear_ibuf [dreg:s7], $0x5FFFF;
	_ =	strace $0x90000046  }
0xb2: {  	s29 =	simm.s32 $0x9;
	_ =	strace $0x80000048  }
0xb3: {  	_ =	swait.ge [sflag:s29], $0x1  }
0xb4: {  	[sflag:s29] =	ssyncadd.s32 $0xFFFFFFFF  }
0xb5: {  	_ =	strace $0x90000048  }
0xb6: {  	_ =	sfence  }
0xb7: {  	s30 =	sld [smem:$0x0];
	_ =	sdelay $0x2  }
0xb8: {  	s31 =	sshll.u32 s1, $0xD;
	s1 =	sshrl.u32 s1, $0x2  }
0xb9: {  	s3 =	sand.u32 $0x4000, s31;
	s1 =	sadd.s32 s1, s30  }
0xba: {  	s0 =	sor.u32 s3, s0;
	s1 =	sshll.u32 s1, $0x11  }
0xbb: {  	s0 =	sor.u32 s1, s0  }
0xbc: {  	s0 =	sadd.s32 $0x8F2B, s0  }
0xbd: {  	[sflag:s0] =	ssyncadd.remote.s32 $0x1  }
0xbe: {  	_ =	sfence.sel $0xFFFF  }
0xbf: {  	[dreg:$0x0] =	wrdreg $0xFFFFFFFF;
	(pc) =	sbr.abs _section_cstart, $3  }
0xc0: {  	[dreg:$0x1] =	wrdreg $0xFFFFFFFF  }
0xc1: {  	_ =	task.clear_ibuf [dreg:s7], $0x2FFFF;
	_ =	strace $0x9FFFFFFF  }
0xc2: {  	(tm) =	ssettm $0x7FFFFFFF  }
0xc3: {  	_ =	shalt  }
tec
execute0_lowered:
.L_overlay_start_1:
0x0: {  	(tag) =	ssettag $0x1  }
0x1: {  	s1 =	srdreg.scid  }
0x2: {  	s2 =	rddreg [dreg:$0x0];
	s0 =	stileid.u32  }
0x3: {  	s5 =	rddreg [dreg:$0x1];
	s3 =	simm.s32 $0x0;
	s14 =	simm.s32 $0x8200  }
0x4: {  	s15 =	simm.s32 $0x1;
	s16 =	simm.s32 $0x2;
	s17 =	simm.s32 $0x0  }
0x5: {  	s9 =	sand.u32 $0x1, s1;
	s4 =	sshll.u32 s0, $0xD;
	s1 =	rddreg [dreg:$0x2]  }
0x6: {  	[smem:$0x7FF] =	sst s3;
	s11 =	sadd.s32 $0x412000, s5;
	s28 =	sadd.s32 $0x402020, s5  }
0x7: {  	s31 =	sshll.u32 s0, $0x13;
	s6 =	sshll.u32 s9, $0xC;
	_ =	strace $0x80000047  }
0x8: {  	s25 =	ssub.s32 $0x2, s9;
	s9 =	sshll.u32 s9, $0x12;
	s7 =	sor.u32 s6, s4  }
0x9: {  	s8 =	sshrl.u32 s25, $0x1;
	s10 =	sshrl.u32 s7, $0x1;
	s12 =	sshrl.u32 s7, $0x6  }
0xa: {  	s6 =	ssub.s32 s25, s8;
	s13 =	sshll.u32 s7, $0x6;
	s24 =	sadd.s32 s10, s5  }
0xb: {  	s26 =	sor.u32 $0x3E, s12;
	s5 =	smax.u32 s6, $0x1;
	s30 =	sadd.s32 s13, s11  }
0xc: {  	s10 =	sadd.s32 s10, s28;
	s12 =	simm.s32 $0x100;
	s13 =	simm.s32 $0x200  }
0xd: {  	s4 =	sadd.s32 $0x402000, s24;
	s29 =	sshll.u32 s26, $0x5;
	s8 =	sshll.u32 s26, $0xC  }
0xe: {  	s6 =	sadd.s32 s29, s28;
	s7 =	sadd.s32 s11, s8;
	s11 =	sadd.s32 s31, s11  }
0xf: {  	s8 =	sadd.s32 $0x3F000, s30;
	s9 =	sadd.s32 s9, s11;
	s11 =	simm.s32 $0x3  }
.LBB2_1:
0x10: {  	[tilespmem:s3], [sflag:$0x3] =	stream.linear.gather [hbm4b:s4+s3], $0x100, $0x38;
	[tilespmem:$0x10200] =	vst v63  }
0x11: {  	_ =	swait.ge [sflag:s11], $0x100  }
0x12: {  	[sflag:s11] =	ssyncset.done $0x0  }
0x13: {  	[sflag:s11] =	ssyncadd.s32 $0xFFFFFF00  }
0x14: {  	[tilespmem:s13], [sflag:$0x1] =	stream.indirect.gather [hbm4b:s2+s12], $0x80, s3, s12, $0xb8;
	[tilespmem:$0x10200] =	vst v63  }
0x15: {  	_ = 	snop  }
0x16: {  	[tilespmem:s12], [sflag:$0x3] =	stream.linear.gather [hbm4b:s10+s3], $0x100, $0x38;
	[tilespmem:$0x10200] =	vst v63  }
0x17: {  	_ =	swait.ge [sflag:s11], $0x100  }
0x18: {  	[sflag:s11] =	ssyncset.done $0x0  }
0x19: {  	[sflag:s11] =	ssyncadd.s32 $0xFFFFFF00  }
0x1a: {  	[tilespmem:s14], [sflag:$0x2] =	stream.indirect.gather [hbm4b:s2+s12], $0x80, s12, s12, $0xb8;
	[tilespmem:$0x10200] =	vst v63  }
0x1b: {  	_ =	swait.ge [sflag:s15], $0x8000  }
0x1c: {  	[sflag:s15] =	ssyncset.done $0x0  }
0x1d: {  	s18 =	sadd.s32 $0x0, s9;
	[sflag:s15] =	ssyncadd.s32 $0xFFFF8000  }
0x1e: {  	[hbm4b:s18+s3] =	stream.linear.scatter [tilespmem:s13], [sflag:$0x3], $0x8000, $0x38;
	[tilespmem:$0x10200] =	vst v63  }
0x1f: {  	_ =	swait.ge [sflag:s11], $0x8000  }
0x20: {  	[sflag:s11] =	ssyncset.done $0x0  }
0x21: {  	s19 =	sadd.s32 $0x20, s10;
	[sflag:s11] =	ssyncadd.s32 $0xFFFF8000  }
0x22: {  	[tilespmem:s3], [sflag:$0x3] =	stream.linear.gather [hbm4b:s19+s3], $0x100, $0x38;
	[tilespmem:$0x10200] =	vst v63  }
0x23: {  	_ =	swait.ge [sflag:s11], $0x100  }
0x24: {  	[sflag:s11] =	ssyncset.done $0x0  }
0x25: {  	[sflag:s11] =	ssyncadd.s32 $0xFFFFFF00  }
0x26: {  	[tilespmem:s13], [sflag:$0x1] =	stream.indirect.gather [hbm4b:s2+s12], $0x80, s3, s12, $0xb8;
	[tilespmem:$0x10200] =	vst v63  }
0x27: {  	_ =	swait.ge [sflag:s16], $0x8000  }
0x28: {  	[sflag:s16] =	ssyncset.done $0x0  }
0x29: {  	s18 =	sadd.s32 $0x1000, s18;
	[sflag:s16] =	ssyncadd.s32 $0xFFFF8000  }
0x2a: {  	[hbm4b:s18+s3] =	stream.linear.scatter [tilespmem:s14], [sflag:$0x3], $0x8000, $0x38;
	[tilespmem:$0x10200] =	vst v63  }
0x2b: {  	_ =	swait.ge [sflag:s11], $0x8000  }
0x2c: {  	s19 =	smov.u32 s10;
	s18 =	simm.s32 $0x2000;
	[sflag:s11] =	ssyncset.done $0x0  }
.LBB2_2:
0x2d: {  	p0 =	sne.s32 s18, $0x3C000;
	[sflag:s11] =	ssyncadd.s32 $0xFFFF8000;
	s19 =	sadd.s32 $0x40, s19  }
0x2e: {  	[tilespmem:s12], [sflag:$0x3] =	stream.linear.gather [hbm4b:s19+s3], $0x100, $0x38;
	[tilespmem:$0x10200] =	vst v63  }
0x2f: {  	s20 =	smov.u32 s18;
	s18 =	sadd.s32 $0x2000, s18;
	_ =	swait.ge [sflag:s11], $0x100  }
0x30: {  	[sflag:s11] =	ssyncset.done $0x0  }
0x31: {  	[sflag:s11] =	ssyncadd.s32 $0xFFFFFF00  }
0x32: {  	[tilespmem:s14], [sflag:$0x2] =	stream.indirect.gather [hbm4b:s2+s12], $0x80, s12, s12, $0xb8;
	[tilespmem:$0x10200] =	vst v63  }
0x33: {  	_ =	swait.ge [sflag:s15], $0x8000  }
0x34: {  	[sflag:s15] =	ssyncset.done $0x0  }
0x35: {  	s20 =	sadd.s32 s20, s9;
	[sflag:s15] =	ssyncadd.s32 $0xFFFF8000  }
0x36: {  	[hbm4b:s20+s3] =	stream.linear.scatter [tilespmem:s13], [sflag:$0x3], $0x8000, $0x38;
	[tilespmem:$0x10200] =	vst v63  }
0x37: {  	_ =	swait.ge [sflag:s11], $0x8000  }
0x38: {  	[sflag:s11] =	ssyncset.done $0x0  }
0x39: {  	s21 =	sadd.s32 $0x20, s19;
	[sflag:s11] =	ssyncadd.s32 $0xFFFF8000  }
0x3a: {  	[tilespmem:s3], [sflag:$0x3] =	stream.linear.gather [hbm4b:s21+s3], $0x100, $0x38;
	[tilespmem:$0x10200] =	vst v63  }
0x3b: {  	_ =	swait.ge [sflag:s11], $0x100  }
0x3c: {  	[sflag:s11] =	ssyncset.done $0x0  }
0x3d: {  	[sflag:s11] =	ssyncadd.s32 $0xFFFFFF00  }
0x3e: {  	[tilespmem:s13], [sflag:$0x1] =	stream.indirect.gather [hbm4b:s2+s12], $0x80, s3, s12, $0xb8;
	[tilespmem:$0x10200] =	vst v63  }
0x3f: {  	_ =	swait.ge [sflag:s16], $0x8000  }
.Ltmp0:
0x40: {  	[sflag:s16] =	ssyncset.done $0x0;
	(pc) =	sbr.rel @p0 .LBB2_2-.Ltmp0, $4  }
0x41: {  	s20 =	sadd.s32 $0x1000, s20;
	[sflag:s16] =	ssyncadd.s32 $0xFFFF8000  }
0x42: {  	[hbm4b:s20+s3] =	stream.linear.scatter [tilespmem:s14], [sflag:$0x3], $0x8000, $0x38;
	[tilespmem:$0x10200] =	vst v63  }
0x43: {  	_ =	swait.ge [sflag:s11], $0x8000  }
0x44: {  	[sflag:s11] =	ssyncset.done $0x0  }
0x45: {  	[sflag:s11] =	ssyncadd.s32 $0xFFFF8000  }
0x46: {  	[tilespmem:s12], [sflag:$0x3] =	stream.linear.gather [hbm4b:s6+s3], $0x100, $0x38;
	[tilespmem:$0x10200] =	vst v63  }
0x47: {  	_ =	swait.ge [sflag:s11], $0x100  }
0x48: {  	[sflag:s11] =	ssyncset.done $0x0  }
0x49: {  	[sflag:s11] =	ssyncadd.s32 $0xFFFFFF00  }
0x4a: {  	[tilespmem:s14], [sflag:$0x2] =	stream.indirect.gather [hbm4b:s2+s12], $0x80, s12, s12, $0xb8;
	[tilespmem:$0x10200] =	vst v63  }
0x4b: {  	_ =	swait.ge [sflag:s15], $0x8000  }
0x4c: {  	[sflag:s15] =	ssyncset.done $0x0  }
0x4d: {  	[sflag:s15] =	ssyncadd.s32 $0xFFFF8000  }
0x4e: {  	[hbm4b:s7+s3] =	stream.linear.scatter [tilespmem:s13], [sflag:$0x3], $0x8000, $0x38;
	[tilespmem:$0x10200] =	vst v63  }
0x4f: {  	_ =	swait.ge [sflag:s11], $0x8000  }
0x50: {  	[sflag:s11] =	ssyncset.done $0x0  }
0x51: {  	[sflag:s11] =	ssyncadd.s32 $0xFFFF8000  }
0x52: {  	s17 =	sadd.s32 $0x1, s17;
	_ =	swait.ge [sflag:s16], $0x8000  }
0x53: {  	p0 =	sne.s32 s17, s5;
	[sflag:s16] =	ssyncset.done $0x0  }
.Ltmp1:
0x54: {  	[sflag:s16] =	ssyncadd.s32 $0xFFFF8000;
	(pc) =	sbr.rel @p0 .LBB2_1-.Ltmp1, $4  }
0x55: {  	[hbm4b:s8+s3] =	stream.linear.scatter [tilespmem:s14], [sflag:$0x3], $0x8000, $0x38;
	[tilespmem:$0x10200] =	vst v63  }
0x56: {  	_ =	swait.ge [sflag:s11], $0x8000  }
0x57: {  	[sflag:s11] =	ssyncset.done $0x0  }
0x58: {  	[sflag:s11] =	ssyncadd.s32 $0xFFFF8000  }
0x59: {  	_ =	sfence.sel $0x180000  }
0x5a: {  	[bflag:$0x0] =	sbarrier.arrive $0xFFFF  }
0x5b: {  	p0 =	sne.s32 s0, $0x0;
	_ =	strace $0x90000047  }
0x5c: {  	s0 =	sadd.s32 @!p0 $0x100000, s1;
	[bflag:$0x2] =	sbarrier.arrive $0xFFFF  }
0x5d: {  	[sflag:s0] =	ssyncadd.tile.s32 @!p0 $0x1;
	_ =	shalt  }
.Lfunc_end2:
_tile_overlayer_lowered:
.L_overlay_start_2:
0x5e: {  	(tag) =	ssettag $0x2  }
0x5f: {  	s0 =	rddreg [dreg:$0x0];
	s2 =	stileid.u32  }
0x60: {  	s1 =	rddreg [dreg:$0x1];
	p0 =	sne.s32 s2, $0x0  }
0x61: {  	s3 =	rddreg [dreg:$0x2];
	[bflag:$0x3] =	sbarrier.arrive $0xFFFF;
	s2 =	simm.s32 @!p0 $0x1C03  }
0x62: {  	[timem:s3], [sflag:s2] =	dma.local @!p0 [hbm:s0], s1  }
0x63: {  	s0 =	simm.s32 @!p0 $0x3  }
0x64: {  	_ =	swait.ge @!p0 [sflag:s0], s1  }
0x65: {  	s1 =	ssub.s32 @!p0 $0x0, s1;
	[sflag:s0] =	ssyncset.done @!p0 $0x0  }
0x66: {  	[sflag:s0] =	ssyncadd.s32 @!p0 s1  }
0x67: {  	[bflag:$0x3] =	sbarrier.arrive $0xFFFF  }
0x68: {  	_ =	shalt  }

</sc_bundles>
